<compile_context>
chip_gen: v7x
topology: tpu7x:2x2x1
jax: 0.10.2.dev20260603
libtpu: 0.0.44.dev20260713+nightly
codegen_flags: <defaults>
</compile_context>

<pallas_src>
import functools

import jax
import jax.numpy as jnp
from jax import lax
from jax.experimental import pallas as pl
from jax.experimental.pallas import tpu as pltpu
from jax.experimental.pallas import tpu_sc as plsc

BATCH = 16384
HIST = 200
EMBED = 2
N_ROWS = 1_000_000
N_TOTAL = BATCH * HIST
NC, NS = 2, 16
NW = NC * NS
PER_W = N_TOTAL // NW
CHUNK = 12800
STEPS = PER_W // CHUNK

_mesh = plsc.VectorSubcoreMesh(core_axis_name="c", subcore_axis_name="s",
                               num_cores=NC, num_subcores=NS)


@functools.partial(
    pl.kernel,
    out_type=jax.ShapeDtypeStruct((EMBED * N_TOTAL,), jnp.float32),
    mesh=_mesh,
    scratch_types=[
        pltpu.VMEM((2, CHUNK), jnp.int32),
        pltpu.VMEM((2, CHUNK), jnp.float32),
        pltpu.VMEM((2, CHUNK), jnp.float32),
    ] + [pltpu.SemaphoreType.DMA] * 10,
    compiler_params=pltpu.CompilerParams(
        use_tc_tiling_on_sc=False, needs_layout_passes=False),
)
def _gather_kernel(idx_hbm, w0_hbm, w1_hbm, out_hbm, idx_v, e_v, o_v,
                   *sems):
    wid = lax.axis_index("s") * NC + lax.axis_index("c")
    base = wid * PER_W
    sem_i, sem_e, sem_o, sem_se, sem_so = (sems[0:2], sems[2:4], sems[4:6],
                                           sems[6:8], sems[8:10])

    def start_idx(g):
        off = base + g * CHUNK
        return pltpu.async_copy(idx_hbm.at[pl.ds(off, CHUNK)],
                                idx_v.at[g % 2], sem_i[g % 2])

    def start_gathers(g):
        b = g % 2
        return (pltpu.async_copy(w0_hbm.at[idx_v.at[b]], e_v.at[b], sem_e[b]),
                pltpu.async_copy(w1_hbm.at[idx_v.at[b]], o_v.at[b], sem_o[b]))

    def start_stores(g):
        b = g % 2
        off = base + g * CHUNK
        return (pltpu.async_copy(e_v.at[b], out_hbm.at[pl.ds(off, CHUNK)],
                                 sem_se[b]),
                pltpu.async_copy(o_v.at[b],
                                 out_hbm.at[pl.ds(N_TOTAL + off, CHUNK)],
                                 sem_so[b]))

    h_idx = [None] * STEPS
    h_g = [None] * STEPS
    h_s = [None] * STEPS
    h_idx[0] = start_idx(0)
    for g in range(STEPS):
        h_idx[g].wait()
        if g >= 2:
            h_s[g - 2][0].wait()
            h_s[g - 2][1].wait()
        h_g[g] = start_gathers(g)
        if g >= 1:
            h_g[g - 1][0].wait()
            h_g[g - 1][1].wait()
            h_s[g - 1] = start_stores(g - 1)
        if g + 1 < STEPS:
            h_idx[g + 1] = start_idx(g + 1)
    h_g[STEPS - 1][0].wait()
    h_g[STEPS - 1][1].wait()
    h_s[STEPS - 1] = start_stores(STEPS - 1)
    h_s[STEPS - 2][0].wait()
    h_s[STEPS - 2][1].wait()
    h_s[STEPS - 1][0].wait()
    h_s[STEPS - 1][1].wait()


def kernel(x, W):
    idx = x.reshape(N_TOTAL).astype(jnp.int32)
    out = _gather_kernel(idx, W[:, 0], W[:, 1])
    return out.reshape(EMBED, BATCH, HIST).transpose(1, 2, 0)

# --- scband reference (transcript-rebuilt; emitter-appended) ---
"""Pipeline reference for scband-riemannian-embedding-38311108280770 (READ-ONLY COPY).

The authoritative reference and input builder live on the scoring server;
editing this copy changes nothing except your own understanding.
"""

import jax, jax.numpy as jnp
import numpy as np

N_EXEMPLE = 1000000
EMBED_DIM = 2  # PoincareEmbedding(n_exemple, 2)


def setup_inputs(seed: int = 0) -> dict:
    key = jax.random.key(seed)
    k1, k2 = jax.random.split(key)
    # indices into the Poincare embedding table: [batch, hist_len]
    x = jax.random.randint(k1, (16384, 200), 0, N_EXEMPLE, dtype=jnp.int64)
    # Poincare embeddings are initialized as small uniform points near the origin of the disk
    W = jax.random.uniform(k2, (N_EXEMPLE, EMBED_DIM), dtype=jnp.float32, minval=-1e-3, maxval=1e-3)
    return {"x": x, "W": W}


def reference(x, W):
    # forward(self, x): return self.W(x)  -> embedding lookup (gather rows)
    out = jnp.take(W, x, axis=0)  # [16384, 200, 2]
    return out

if __name__ == "__main__":
    import jax
    _d = setup_inputs()
    print(jax.jit(kernel)(*tuple(_d.values())))

</pallas_src>

<mosaic_0001>
#map = affine_map<(d0, d1) -> (0)>
module attributes {stable_mosaic.version = 14 : i64} {
  func.func @_gather_kernel(%arg0: i32, %arg1: i32, %arg2: memref<3276800xi32, #tpu.memory_space<hbm>>, %arg3: memref<1000000xf32, #tpu.memory_space<hbm>>, %arg4: memref<1000000xf32, #tpu.memory_space<hbm>>, %arg5: memref<6553600xf32, #tpu.memory_space<hbm>>, %arg6: memref<2x12800xi32, #tpu.memory_space<vmem>>, %arg7: memref<2x12800xf32, #tpu.memory_space<vmem>>, %arg8: memref<2x12800xf32, #tpu.memory_space<vmem>>, %arg9: memref<!tpu.dma_semaphore, #tpu.memory_space<semaphore_mem>>, %arg10: memref<!tpu.dma_semaphore, #tpu.memory_space<semaphore_mem>>, %arg11: memref<!tpu.dma_semaphore, #tpu.memory_space<semaphore_mem>>, %arg12: memref<!tpu.dma_semaphore, #tpu.memory_space<semaphore_mem>>, %arg13: memref<!tpu.dma_semaphore, #tpu.memory_space<semaphore_mem>>, %arg14: memref<!tpu.dma_semaphore, #tpu.memory_space<semaphore_mem>>, %arg15: memref<!tpu.dma_semaphore, #tpu.memory_space<semaphore_mem>>, %arg16: memref<!tpu.dma_semaphore, #tpu.memory_space<semaphore_mem>>, %arg17: memref<!tpu.dma_semaphore, #tpu.memory_space<semaphore_mem>>, %arg18: memref<!tpu.dma_semaphore, #tpu.memory_space<semaphore_mem>>) attributes {dimension_semantics = [#tpu.dimension_semantics<core_parallel>, #tpu.dimension_semantics<subcore_parallel>], iteration_bounds = array<i64: 2, 16>, scalar_prefetch = 0 : i64, scratch_operands = 13 : i64, tpu.core_type = #tpu.core_type<sc_vector_subcore>, window_params = [{transform_indices = #map}, {transform_indices = #map}, {transform_indices = #map}, {transform_indices = #map}]} {
    %mul3A = arith.constant 2 : i32
    %mul3A_0 = arith.muli %arg1, %mul3A : i32
    %add3A = arith.addi %mul3A_0, %arg0 : i32
    %mul3A_1 = arith.constant 102400 : i32
    %mul3A_2 = arith.muli %add3A, %mul3A_1 : i32
    %add3A_3 = arith.constant 0 : i32
    %add3A_4 = arith.addi %mul3A_2, %add3A_3 : i32
    %dma_start3A = arith.constant 0 : i32
    %dma_start3A_5 = arith.constant 0 : i32
    %dma_start3A_6 = tpu.memref_slice %arg6[%dma_start3A, %dma_start3A_5] : memref<2x12800xi32, #tpu.memory_space<vmem>> -> memref<1x12800xi32, #tpu.memory_space<vmem>>
    %dma_start3A_7 = tpu.memref_squeeze %dma_start3A_6 : memref<1x12800xi32, #tpu.memory_space<vmem>> -> memref<12800xi32, #tpu.memory_space<vmem>>
    %dma_start3A_8 = tpu.memref_slice %arg2[%add3A_4] : memref<3276800xi32, #tpu.memory_space<hbm>> -> memref<12800xi32, #tpu.memory_space<hbm>>
    %dma_start3A_9 = arith.constant 0 : i32
    %dma_start3A_10 = tpu.memref_slice %arg6[%dma_start3A, %dma_start3A_9] : memref<2x12800xi32, #tpu.memory_space<vmem>> -> memref<1x12800xi32, #tpu.memory_space<vmem>>
    %dma_start3A_11 = tpu.memref_squeeze %dma_start3A_10 : memref<1x12800xi32, #tpu.memory_space<vmem>> -> memref<12800xi32, #tpu.memory_space<vmem>>
    %dma_start3A_12 = tpu.memref_slice %arg2[%add3A_4] : memref<3276800xi32, #tpu.memory_space<hbm>> -> memref<12800xi32, #tpu.memory_space<hbm>>
    tpu.enqueue_dma source(%dma_start3A_12 : memref<12800xi32, #tpu.memory_space<hbm>>) target(%dma_start3A_11 : memref<12800xi32, #tpu.memory_space<vmem>>) target_semaphore(%arg9 : memref<!tpu.dma_semaphore, #tpu.memory_space<semaphore_mem>>)
    %dma_wait3A = arith.constant 0 : i32
    %dma_wait3A_13 = arith.constant 0 : i32
    %dma_wait3A_14 = tpu.memref_slice %arg6[%dma_wait3A, %dma_wait3A_13] : memref<2x12800xi32, #tpu.memory_space<vmem>> -> memref<1x12800xi32, #tpu.memory_space<vmem>>
    %dma_wait3A_15 = tpu.memref_squeeze %dma_wait3A_14 : memref<1x12800xi32, #tpu.memory_space<vmem>> -> memref<12800xi32, #tpu.memory_space<vmem>>
    %dma_wait3A_16 = tpu.memref_slice %arg2[%add3A_4] : memref<3276800xi32, #tpu.memory_space<hbm>> -> memref<12800xi32, #tpu.memory_space<hbm>>
    %dma_wait3A_17 = arith.constant 0 : i32
    %dma_wait3A_18 = tpu.memref_slice %arg6[%dma_wait3A, %dma_wait3A_17] : memref<2x12800xi32, #tpu.memory_space<vmem>> -> memref<1x12800xi32, #tpu.memory_space<vmem>>
    %dma_wait3A_19 = tpu.memref_squeeze %dma_wait3A_18 : memref<1x12800xi32, #tpu.memory_space<vmem>> -> memref<12800xi32, #tpu.memory_space<vmem>>
    %dma_wait3A_20 = tpu.memref_slice %arg2[%add3A_4] : memref<3276800xi32, #tpu.memory_space<hbm>> -> memref<12800xi32, #tpu.memory_space<hbm>>
    tpu.wait_dma2 semaphore(%arg9 : memref<!tpu.dma_semaphore, #tpu.memory_space<semaphore_mem>>) src(%dma_wait3A_20 : memref<12800xi32, #tpu.memory_space<hbm>>) dst(%dma_wait3A_19 : memref<12800xi32, #tpu.memory_space<vmem>>)
    %dma_start3A_21 = arith.constant 0 : i32
    %dma_start3A_22 = arith.constant 0 : i32
    %dma_start3A_23 = arith.constant 0 : i32
    %dma_start3A_24 = tpu.memref_slice %arg7[%dma_start3A_22, %dma_start3A_23] : memref<2x12800xf32, #tpu.memory_space<vmem>> -> memref<1x12800xf32, #tpu.memory_space<vmem>>
    %dma_start3A_25 = tpu.memref_squeeze %dma_start3A_24 : memref<1x12800xf32, #tpu.memory_space<vmem>> -> memref<12800xf32, #tpu.memory_space<vmem>>
    %dma_start3A_26 = arith.constant 0 : i32
    %dma_start3A_27 = tpu.memref_slice %arg6[%dma_start3A_21, %dma_start3A_26] : memref<2x12800xi32, #tpu.memory_space<vmem>> -> memref<1x12800xi32, #tpu.memory_space<vmem>>
    %dma_start3A_28 = tpu.memref_squeeze %dma_start3A_27 : memref<1x12800xi32, #tpu.memory_space<vmem>> -> memref<12800xi32, #tpu.memory_space<vmem>>
    %dma_start3A_29 = arith.constant 0 : i32
    %dma_start3A_30 = tpu.memref_slice %arg3[%dma_start3A_29] : memref<1000000xf32, #tpu.memory_space<hbm>> -> memref<1000000xf32, #tpu.memory_space<hbm>>
    tpu.enqueue_indirect_dma source(%dma_start3A_30 : memref<1000000xf32, #tpu.memory_space<hbm>>) target(%dma_start3A_25 : memref<12800xf32, #tpu.memory_space<vmem>>) offsets(%dma_start3A_28 : memref<12800xi32, #tpu.memory_space<vmem>>) semaphore(%arg11 : memref<!tpu.dma_semaphore, #tpu.memory_space<semaphore_mem>>)
    %dma_start3A_31 = arith.constant 0 : i32
    %dma_start3A_32 = arith.constant 0 : i32
    %dma_start3A_33 = arith.constant 0 : i32
    %dma_start3A_34 = tpu.memref_slice %arg8[%dma_start3A_32, %dma_start3A_33] : memref<2x12800xf32, #tpu.memory_space<vmem>> -> memref<1x12800xf32, #tpu.memory_space<vmem>>
    %dma_start3A_35 = tpu.memref_squeeze %dma_start3A_34 : memref<1x12800xf32, #tpu.memory_space<vmem>> -> memref<12800xf32, #tpu.memory_space<vmem>>
    %dma_start3A_36 = arith.constant 0 : i32
    %dma_start3A_37 = tpu.memref_slice %arg6[%dma_start3A_31, %dma_start3A_36] : memref<2x12800xi32, #tpu.memory_space<vmem>> -> memref<1x12800xi32, #tpu.memory_space<vmem>>
    %dma_start3A_38 = tpu.memref_squeeze %dma_start3A_37 : memref<1x12800xi32, #tpu.memory_space<vmem>> -> memref<12800xi32, #tpu.memory_space<vmem>>
    %dma_start3A_39 = arith.constant 0 : i32
    %dma_start3A_40 = tpu.memref_slice %arg4[%dma_start3A_39] : memref<1000000xf32, #tpu.memory_space<hbm>> -> memref<1000000xf32, #tpu.memory_space<hbm>>
    tpu.enqueue_indirect_dma source(%dma_start3A_40 : memref<1000000xf32, #tpu.memory_space<hbm>>) target(%dma_start3A_35 : memref<12800xf32, #tpu.memory_space<vmem>>) offsets(%dma_start3A_38 : memref<12800xi32, #tpu.memory_space<vmem>>) semaphore(%arg13 : memref<!tpu.dma_semaphore, #tpu.memory_space<semaphore_mem>>)
    %add3A_41 = arith.constant 12800 : i32
    %add3A_42 = arith.addi %mul3A_2, %add3A_41 : i32
    %dma_start3A_43 = arith.constant 1 : i32
    %dma_start3A_44 = arith.constant 0 : i32
    %dma_start3A_45 = tpu.memref_slice %arg6[%dma_start3A_43, %dma_start3A_44] : memref<2x12800xi32, #tpu.memory_space<vmem>> -> memref<1x12800xi32, #tpu.memory_space<vmem>>
    %dma_start3A_46 = tpu.memref_squeeze %dma_start3A_45 : memref<1x12800xi32, #tpu.memory_space<vmem>> -> memref<12800xi32, #tpu.memory_space<vmem>>
    %dma_start3A_47 = tpu.memref_slice %arg2[%add3A_42] : memref<3276800xi32, #tpu.memory_space<hbm>> -> memref<12800xi32, #tpu.memory_space<hbm>>
    %dma_start3A_48 = arith.constant 0 : i32
    %dma_start3A_49 = tpu.memref_slice %arg6[%dma_start3A_43, %dma_start3A_48] : memref<2x12800xi32, #tpu.memory_space<vmem>> -> memref<1x12800xi32, #tpu.memory_space<vmem>>
    %dma_start3A_50 = tpu.memref_squeeze %dma_start3A_49 : memref<1x12800xi32, #tpu.memory_space<vmem>> -> memref<12800xi32, #tpu.memory_space<vmem>>
    %dma_start3A_51 = tpu.memref_slice %arg2[%add3A_42] : memref<3276800xi32, #tpu.memory_space<hbm>> -> memref<12800xi32, #tpu.memory_space<hbm>>
    tpu.enqueue_dma source(%dma_start3A_51 : memref<12800xi32, #tpu.memory_space<hbm>>) target(%dma_start3A_50 : memref<12800xi32, #tpu.memory_space<vmem>>) target_semaphore(%arg10 : memref<!tpu.dma_semaphore, #tpu.memory_space<semaphore_mem>>)
    %dma_wait3A_52 = arith.constant 1 : i32
    %dma_wait3A_53 = arith.constant 0 : i32
    %dma_wait3A_54 = tpu.memref_slice %arg6[%dma_wait3A_52, %dma_wait3A_53] : memref<2x12800xi32, #tpu.memory_space<vmem>> -> memref<1x12800xi32, #tpu.memory_space<vmem>>
    %dma_wait3A_55 = tpu.memref_squeeze %dma_wait3A_54 : memref<1x12800xi32, #tpu.memory_space<vmem>> -> memref<12800xi32, #tpu.memory_space<vmem>>
    %dma_wait3A_56 = tpu.memref_slice %arg2[%add3A_42] : memref<3276800xi32, #tpu.memory_space<hbm>> -> memref<12800xi32, #tpu.memory_space<hbm>>
    %dma_wait3A_57 = arith.constant 0 : i32
    %dma_wait3A_58 = tpu.memref_slice %arg6[%dma_wait3A_52, %dma_wait3A_57] : memref<2x12800xi32, #tpu.memory_space<vmem>> -> memref<1x12800xi32, #tpu.memory_space<vmem>>
    %dma_wait3A_59 = tpu.memref_squeeze %dma_wait3A_58 : memref<1x12800xi32, #tpu.memory_space<vmem>> -> memref<12800xi32, #tpu.memory_space<vmem>>
    %dma_wait3A_60 = tpu.memref_slice %arg2[%add3A_42] : memref<3276800xi32, #tpu.memory_space<hbm>> -> memref<12800xi32, #tpu.memory_space<hbm>>
    tpu.wait_dma2 semaphore(%arg10 : memref<!tpu.dma_semaphore, #tpu.memory_space<semaphore_mem>>) src(%dma_wait3A_60 : memref<12800xi32, #tpu.memory_space<hbm>>) dst(%dma_wait3A_59 : memref<12800xi32, #tpu.memory_space<vmem>>)
    %dma_start3A_61 = arith.constant 1 : i32
    %dma_start3A_62 = arith.constant 1 : i32
    %dma_start3A_63 = arith.constant 0 : i32
    %dma_start3A_64 = tpu.memref_slice %arg7[%dma_start3A_62, %dma_start3A_63] : memref<2x12800xf32, #tpu.memory_space<vmem>> -> memref<1x12800xf32, #tpu.memory_space<vmem>>
    %dma_start3A_65 = tpu.memref_squeeze %dma_start3A_64 : memref<1x12800xf32, #tpu.memory_space<vmem>> -> memref<12800xf32, #tpu.memory_space<vmem>>
    %dma_start3A_66 = arith.constant 0 : i32
    %dma_start3A_67 = tpu.memref_slice %arg6[%dma_start3A_61, %dma_start3A_66] : memref<2x12800xi32, #tpu.memory_space<vmem>> -> memref<1x12800xi32, #tpu.memory_space<vmem>>
    %dma_start3A_68 = tpu.memref_squeeze %dma_start3A_67 : memref<1x12800xi32, #tpu.memory_space<vmem>> -> memref<12800xi32, #tpu.memory_space<vmem>>
    %dma_start3A_69 = arith.constant 0 : i32
    %dma_start3A_70 = tpu.memref_slice %arg3[%dma_start3A_69] : memref<1000000xf32, #tpu.memory_space<hbm>> -> memref<1000000xf32, #tpu.memory_space<hbm>>
    tpu.enqueue_indirect_dma source(%dma_start3A_70 : memref<1000000xf32, #tpu.memory_space<hbm>>) target(%dma_start3A_65 : memref<12800xf32, #tpu.memory_space<vmem>>) offsets(%dma_start3A_68 : memref<12800xi32, #tpu.memory_space<vmem>>) semaphore(%arg12 : memref<!tpu.dma_semaphore, #tpu.memory_space<semaphore_mem>>)
    %dma_start3A_71 = arith.constant 1 : i32
    %dma_start3A_72 = arith.constant 1 : i32
    %dma_start3A_73 = arith.constant 0 : i32
    %dma_start3A_74 = tpu.memref_slice %arg8[%dma_start3A_72, %dma_start3A_73] : memref<2x12800xf32, #tpu.memory_space<vmem>> -> memref<1x12800xf32, #tpu.memory_space<vmem>>
    %dma_start3A_75 = tpu.memref_squeeze %dma_start3A_74 : memref<1x12800xf32, #tpu.memory_space<vmem>> -> memref<12800xf32, #tpu.memory_space<vmem>>
    %dma_start3A_76 = arith.constant 0 : i32
    %dma_start3A_77 = tpu.memref_slice %arg6[%dma_start3A_71, %dma_start3A_76] : memref<2x12800xi32, #tpu.memory_space<vmem>> -> memref<1x12800xi32, #tpu.memory_space<vmem>>
    %dma_start3A_78 = tpu.memref_squeeze %dma_start3A_77 : memref<1x12800xi32, #tpu.memory_space<vmem>> -> memref<12800xi32, #tpu.memory_space<vmem>>
    %dma_start3A_79 = arith.constant 0 : i32
    %dma_start3A_80 = tpu.memref_slice %arg4[%dma_start3A_79] : memref<1000000xf32, #tpu.memory_space<hbm>> -> memref<1000000xf32, #tpu.memory_space<hbm>>
    tpu.enqueue_indirect_dma source(%dma_start3A_80 : memref<1000000xf32, #tpu.memory_space<hbm>>) target(%dma_start3A_75 : memref<12800xf32, #tpu.memory_space<vmem>>) offsets(%dma_start3A_78 : memref<12800xi32, #tpu.memory_space<vmem>>) semaphore(%arg14 : memref<!tpu.dma_semaphore, #tpu.memory_space<semaphore_mem>>)
    %dma_wait3A_81 = arith.constant 0 : i32
    %dma_wait3A_82 = arith.constant 0 : i32
    %dma_wait3A_83 = arith.constant 0 : i32
    %dma_wait3A_84 = tpu.memref_slice %arg7[%dma_wait3A_82, %dma_wait3A_83] : memref<2x12800xf32, #tpu.memory_space<vmem>> -> memref<1x12800xf32, #tpu.memory_space<vmem>>
    %dma_wait3A_85 = tpu.memref_squeeze %dma_wait3A_84 : memref<1x12800xf32, #tpu.memory_space<vmem>> -> memref<12800xf32, #tpu.memory_space<vmem>>
    %dma_wait3A_86 = arith.constant 0 : i32
    %dma_wait3A_87 = tpu.memref_slice %arg6[%dma_wait3A_81, %dma_wait3A_86] : memref<2x12800xi32, #tpu.memory_space<vmem>> -> memref<1x12800xi32, #tpu.memory_space<vmem>>
    %dma_wait3A_88 = tpu.memref_squeeze %dma_wait3A_87 : memref<1x12800xi32, #tpu.memory_space<vmem>> -> memref<12800xi32, #tpu.memory_space<vmem>>
    %dma_wait3A_89 = arith.constant 0 : i32
    %dma_wait3A_90 = tpu.memref_slice %arg3[%dma_wait3A_89] : memref<1000000xf32, #tpu.memory_space<hbm>> -> memref<1000000xf32, #tpu.memory_space<hbm>>
    tpu.wait_indirect_dma semaphore(%arg11 : memref<!tpu.dma_semaphore, #tpu.memory_space<semaphore_mem>>) src(%dma_wait3A_90 : memref<1000000xf32, #tpu.memory_space<hbm>>) dst(%dma_wait3A_85 : memref<12800xf32, #tpu.memory_space<vmem>>)
    %dma_wait3A_91 = arith.constant 0 : i32
    %dma_wait3A_92 = arith.constant 0 : i32
    %dma_wait3A_93 = arith.constant 0 : i32
    %dma_wait3A_94 = tpu.memref_slice %arg8[%dma_wait3A_92, %dma_wait3A_93] : memref<2x12800xf32, #tpu.memory_space<vmem>> -> memref<1x12800xf32, #tpu.memory_space<vmem>>
    %dma_wait3A_95 = tpu.memref_squeeze %dma_wait3A_94 : memref<1x12800xf32, #tpu.memory_space<vmem>> -> memref<12800xf32, #tpu.memory_space<vmem>>
    %dma_wait3A_96 = arith.constant 0 : i32
    %dma_wait3A_97 = tpu.memref_slice %arg6[%dma_wait3A_91, %dma_wait3A_96] : memref<2x12800xi32, #tpu.memory_space<vmem>> -> memref<1x12800xi32, #tpu.memory_space<vmem>>
    %dma_wait3A_98 = tpu.memref_squeeze %dma_wait3A_97 : memref<1x12800xi32, #tpu.memory_space<vmem>> -> memref<12800xi32, #tpu.memory_space<vmem>>
    %dma_wait3A_99 = arith.constant 0 : i32
    %dma_wait3A_100 = tpu.memref_slice %arg4[%dma_wait3A_99] : memref<1000000xf32, #tpu.memory_space<hbm>> -> memref<1000000xf32, #tpu.memory_space<hbm>>
    tpu.wait_indirect_dma semaphore(%arg13 : memref<!tpu.dma_semaphore, #tpu.memory_space<semaphore_mem>>) src(%dma_wait3A_100 : memref<1000000xf32, #tpu.memory_space<hbm>>) dst(%dma_wait3A_95 : memref<12800xf32, #tpu.memory_space<vmem>>)
    %add3A_101 = arith.constant 0 : i32
    %add3A_102 = arith.addi %mul3A_2, %add3A_101 : i32
    %dma_start3A_103 = arith.constant 0 : i32
    %dma_start3A_104 = arith.constant 0 : i32
    %dma_start3A_105 = tpu.memref_slice %arg7[%dma_start3A_103, %dma_start3A_104] : memref<2x12800xf32, #tpu.memory_space<vmem>> -> memref<1x12800xf32, #tpu.memory_space<vmem>>
    %dma_start3A_106 = tpu.memref_squeeze %dma_start3A_105 : memref<1x12800xf32, #tpu.memory_space<vmem>> -> memref<12800xf32, #tpu.memory_space<vmem>>
    %dma_start3A_107 = tpu.memref_slice %arg5[%add3A_102] : memref<6553600xf32, #tpu.memory_space<hbm>> -> memref<12800xf32, #tpu.memory_space<hbm>>
    %dma_start3A_108 = tpu.memref_slice %arg5[%add3A_102] : memref<6553600xf32, #tpu.memory_space<hbm>> -> memref<12800xf32, #tpu.memory_space<hbm>>
    %dma_start3A_109 = arith.constant 0 : i32
    %dma_start3A_110 = tpu.memref_slice %arg7[%dma_start3A_103, %dma_start3A_109] : memref<2x12800xf32, #tpu.memory_space<vmem>> -> memref<1x12800xf32, #tpu.memory_space<vmem>>
    %dma_start3A_111 = tpu.memref_squeeze %dma_start3A_110 : memref<1x12800xf32, #tpu.memory_space<vmem>> -> memref<12800xf32, #tpu.memory_space<vmem>>
    tpu.enqueue_dma source(%dma_start3A_111 : memref<12800xf32, #tpu.memory_space<vmem>>) target(%dma_start3A_108 : memref<12800xf32, #tpu.memory_space<hbm>>) target_semaphore(%arg15 : memref<!tpu.dma_semaphore, #tpu.memory_space<semaphore_mem>>)
    %add3A_112 = arith.constant 3276800 : i32
    %add3A_113 = arith.addi %add3A_112, %add3A_102 : i32
    %dma_start3A_114 = arith.constant 0 : i32
    %dma_start3A_115 = arith.constant 0 : i32
    %dma_start3A_116 = tpu.memref_slice %arg8[%dma_start3A_114, %dma_start3A_115] : memref<2x12800xf32, #tpu.memory_space<vmem>> -> memref<1x12800xf32, #tpu.memory_space<vmem>>
    %dma_start3A_117 = tpu.memref_squeeze %dma_start3A_116 : memref<1x12800xf32, #tpu.memory_space<vmem>> -> memref<12800xf32, #tpu.memory_space<vmem>>
    %dma_start3A_118 = tpu.memref_slice %arg5[%add3A_113] : memref<6553600xf32, #tpu.memory_space<hbm>> -> memref<12800xf32, #tpu.memory_space<hbm>>
    %dma_start3A_119 = tpu.memref_slice %arg5[%add3A_113] : memref<6553600xf32, #tpu.memory_space<hbm>> -> memref<12800xf32, #tpu.memory_space<hbm>>
    %dma_start3A_120 = arith.constant 0 : i32
    %dma_start3A_121 = tpu.memref_slice %arg8[%dma_start3A_114, %dma_start3A_120] : memref<2x12800xf32, #tpu.memory_space<vmem>> -> memref<1x12800xf32, #tpu.memory_space<vmem>>
    %dma_start3A_122 = tpu.memref_squeeze %dma_start3A_121 : memref<1x12800xf32, #tpu.memory_space<vmem>> -> memref<12800xf32, #tpu.memory_space<vmem>>
    tpu.enqueue_dma source(%dma_start3A_122 : memref<12800xf32, #tpu.memory_space<vmem>>) target(%dma_start3A_119 : memref<12800xf32, #tpu.memory_space<hbm>>) target_semaphore(%arg17 : memref<!tpu.dma_semaphore, #tpu.memory_space<semaphore_mem>>)
    %add3A_123 = arith.constant 25600 : i32
    %add3A_124 = arith.addi %mul3A_2, %add3A_123 : i32
    %dma_start3A_125 = arith.constant 0 : i32
    %dma_start3A_126 = arith.constant 0 : i32
    %dma_start3A_127 = tpu.memref_slice %arg6[%dma_start3A_125, %dma_start3A_126] : memref<2x12800xi32, #tpu.memory_space<vmem>> -> memref<1x12800xi32, #tpu.memory_space<vmem>>
    %dma_start3A_128 = tpu.memref_squeeze %dma_start3A_127 : memref<1x12800xi32, #tpu.memory_space<vmem>> -> memref<12800xi32, #tpu.memory_space<vmem>>
    %dma_start3A_129 = tpu.memref_slice %arg2[%add3A_124] : memref<3276800xi32, #tpu.memory_space<hbm>> -> memref<12800xi32, #tpu.memory_space<hbm>>
    %dma_start3A_130 = arith.constant 0 : i32
    %dma_start3A_131 = tpu.memref_slice %arg6[%dma_start3A_125, %dma_start3A_130] : memref<2x12800xi32, #tpu.memory_space<vmem>> -> memref<1x12800xi32, #tpu.memory_space<vmem>>
    %dma_start3A_132 = tpu.memref_squeeze %dma_start3A_131 : memref<1x12800xi32, #tpu.memory_space<vmem>> -> memref<12800xi32, #tpu.memory_space<vmem>>
    %dma_start3A_133 = tpu.memref_slice %arg2[%add3A_124] : memref<3276800xi32, #tpu.memory_space<hbm>> -> memref<12800xi32, #tpu.memory_space<hbm>>
    tpu.enqueue_dma source(%dma_start3A_133 : memref<12800xi32, #tpu.memory_space<hbm>>) target(%dma_start3A_132 : memref<12800xi32, #tpu.memory_space<vmem>>) target_semaphore(%arg9 : memref<!tpu.dma_semaphore, #tpu.memory_space<semaphore_mem>>)
    %dma_wait3A_134 = arith.constant 0 : i32
    %dma_wait3A_135 = arith.constant 0 : i32
    %dma_wait3A_136 = tpu.memref_slice %arg6[%dma_wait3A_134, %dma_wait3A_135] : memref<2x12800xi32, #tpu.memory_space<vmem>> -> memref<1x12800xi32, #tpu.memory_space<vmem>>
    %dma_wait3A_137 = tpu.memref_squeeze %dma_wait3A_136 : memref<1x12800xi32, #tpu.memory_space<vmem>> -> memref<12800xi32, #tpu.memory_space<vmem>>
    %dma_wait3A_138 = tpu.memref_slice %arg2[%add3A_124] : memref<3276800xi32, #tpu.memory_space<hbm>> -> memref<12800xi32, #tpu.memory_space<hbm>>
    %dma_wait3A_139 = arith.constant 0 : i32
    %dma_wait3A_140 = tpu.memref_slice %arg6[%dma_wait3A_134, %dma_wait3A_139] : memref<2x12800xi32, #tpu.memory_space<vmem>> -> memref<1x12800xi32, #tpu.memory_space<vmem>>
    %dma_wait3A_141 = tpu.memref_squeeze %dma_wait3A_140 : memref<1x12800xi32, #tpu.memory_space<vmem>> -> memref<12800xi32, #tpu.memory_space<vmem>>
    %dma_wait3A_142 = tpu.memref_slice %arg2[%add3A_124] : memref<3276800xi32, #tpu.memory_space<hbm>> -> memref<12800xi32, #tpu.memory_space<hbm>>
    tpu.wait_dma2 semaphore(%arg9 : memref<!tpu.dma_semaphore, #tpu.memory_space<semaphore_mem>>) src(%dma_wait3A_142 : memref<12800xi32, #tpu.memory_space<hbm>>) dst(%dma_wait3A_141 : memref<12800xi32, #tpu.memory_space<vmem>>)
    %dma_wait3A_143 = arith.constant 0 : i32
    %dma_wait3A_144 = arith.constant 0 : i32
    %dma_wait3A_145 = tpu.memref_slice %arg7[%dma_wait3A_143, %dma_wait3A_144] : memref<2x12800xf32, #tpu.memory_space<vmem>> -> memref<1x12800xf32, #tpu.memory_space<vmem>>
    %dma_wait3A_146 = tpu.memref_squeeze %dma_wait3A_145 : memref<1x12800xf32, #tpu.memory_space<vmem>> -> memref<12800xf32, #tpu.memory_space<vmem>>
    %dma_wait3A_147 = tpu.memref_slice %arg5[%add3A_102] : memref<6553600xf32, #tpu.memory_space<hbm>> -> memref<12800xf32, #tpu.memory_space<hbm>>
    %dma_wait3A_148 = tpu.memref_slice %arg5[%add3A_102] : memref<6553600xf32, #tpu.memory_space<hbm>> -> memref<12800xf32, #tpu.memory_space<hbm>>
    %dma_wait3A_149 = arith.constant 0 : i32
    %dma_wait3A_150 = tpu.memref_slice %arg7[%dma_wait3A_143, %dma_wait3A_149] : memref<2x12800xf32, #tpu.memory_space<vmem>> -> memref<1x12800xf32, #tpu.memory_space<vmem>>
    %dma_wait3A_151 = tpu.memref_squeeze %dma_wait3A_150 : memref<1x12800xf32, #tpu.memory_space<vmem>> -> memref<12800xf32, #tpu.memory_space<vmem>>
    tpu.wait_dma2 semaphore(%arg15 : memref<!tpu.dma_semaphore, #tpu.memory_space<semaphore_mem>>) src(%dma_wait3A_151 : memref<12800xf32, #tpu.memory_space<vmem>>) dst(%dma_wait3A_148 : memref<12800xf32, #tpu.memory_space<hbm>>)
    %dma_wait3A_152 = arith.constant 0 : i32
    %dma_wait3A_153 = arith.constant 0 : i32
    %dma_wait3A_154 = tpu.memref_slice %arg8[%dma_wait3A_152, %dma_wait3A_153] : memref<2x12800xf32, #tpu.memory_space<vmem>> -> memref<1x12800xf32, #tpu.memory_space<vmem>>
    %dma_wait3A_155 = tpu.memref_squeeze %dma_wait3A_154 : memref<1x12800xf32, #tpu.memory_space<vmem>> -> memref<12800xf32, #tpu.memory_space<vmem>>
    %dma_wait3A_156 = tpu.memref_slice %arg5[%add3A_113] : memref<6553600xf32, #tpu.memory_space<hbm>> -> memref<12800xf32, #tpu.memory_space<hbm>>
    %dma_wait3A_157 = tpu.memref_slice %arg5[%add3A_113] : memref<6553600xf32, #tpu.memory_space<hbm>> -> memref<12800xf32, #tpu.memory_space<hbm>>
    %dma_wait3A_158 = arith.constant 0 : i32
    %dma_wait3A_159 = tpu.memref_slice %arg8[%dma_wait3A_152, %dma_wait3A_158] : memref<2x12800xf32, #tpu.memory_space<vmem>> -> memref<1x12800xf32, #tpu.memory_space<vmem>>
    %dma_wait3A_160 = tpu.memref_squeeze %dma_wait3A_159 : memref<1x12800xf32, #tpu.memory_space<vmem>> -> memref<12800xf32, #tpu.memory_space<vmem>>
    tpu.wait_dma2 semaphore(%arg17 : memref<!tpu.dma_semaphore, #tpu.memory_space<semaphore_mem>>) src(%dma_wait3A_160 : memref<12800xf32, #tpu.memory_space<vmem>>) dst(%dma_wait3A_157 : memref<12800xf32, #tpu.memory_space<hbm>>)
    %dma_start3A_161 = arith.constant 0 : i32
    %dma_start3A_162 = arith.constant 0 : i32
    %dma_start3A_163 = arith.constant 0 : i32
    %dma_start3A_164 = tpu.memref_slice %arg7[%dma_start3A_162, %dma_start3A_163] : memref<2x12800xf32, #tpu.memory_space<vmem>> -> memref<1x12800xf32, #tpu.memory_space<vmem>>
    %dma_start3A_165 = tpu.memref_squeeze %dma_start3A_164 : memref<1x12800xf32, #tpu.memory_space<vmem>> -> memref<12800xf32, #tpu.memory_space<vmem>>
    %dma_start3A_166 = arith.constant 0 : i32
    %dma_start3A_167 = tpu.memref_slice %arg6[%dma_start3A_161, %dma_start3A_166] : memref<2x12800xi32, #tpu.memory_space<vmem>> -> memref<1x12800xi32, #tpu.memory_space<vmem>>
    %dma_start3A_168 = tpu.memref_squeeze %dma_start3A_167 : memref<1x12800xi32, #tpu.memory_space<vmem>> -> memref<12800xi32, #tpu.memory_space<vmem>>
    %dma_start3A_169 = arith.constant 0 : i32
    %dma_start3A_170 = tpu.memref_slice %arg3[%dma_start3A_169] : memref<1000000xf32, #tpu.memory_space<hbm>> -> memref<1000000xf32, #tpu.memory_space<hbm>>
    tpu.enqueue_indirect_dma source(%dma_start3A_170 : memref<1000000xf32, #tpu.memory_space<hbm>>) target(%dma_start3A_165 : memref<12800xf32, #tpu.memory_space<vmem>>) offsets(%dma_start3A_168 : memref<12800xi32, #tpu.memory_space<vmem>>) semaphore(%arg11 : memref<!tpu.dma_semaphore, #tpu.memory_space<semaphore_mem>>)
    %dma_start3A_171 = arith.constant 0 : i32
    %dma_start3A_172 = arith.constant 0 : i32
    %dma_start3A_173 = arith.constant 0 : i32
    %dma_start3A_174 = tpu.memref_slice %arg8[%dma_start3A_172, %dma_start3A_173] : memref<2x12800xf32, #tpu.memory_space<vmem>> -> memref<1x12800xf32, #tpu.memory_space<vmem>>
    %dma_start3A_175 = tpu.memref_squeeze %dma_start3A_174 : memref<1x12800xf32, #tpu.memory_space<vmem>> -> memref<12800xf32, #tpu.memory_space<vmem>>
    %dma_start3A_176 = arith.constant 0 : i32
    %dma_start3A_177 = tpu.memref_slice %arg6[%dma_start3A_171, %dma_start3A_176] : memref<2x12800xi32, #tpu.memory_space<vmem>> -> memref<1x12800xi32, #tpu.memory_space<vmem>>
    %dma_start3A_178 = tpu.memref_squeeze %dma_start3A_177 : memref<1x12800xi32, #tpu.memory_space<vmem>> -> memref<12800xi32, #tpu.memory_space<vmem>>
    %dma_start3A_179 = arith.constant 0 : i32
    %dma_start3A_180 = tpu.memref_slice %arg4[%dma_start3A_179] : memref<1000000xf32, #tpu.memory_space<hbm>> -> memref<1000000xf32, #tpu.memory_space<hbm>>
    tpu.enqueue_indirect_dma source(%dma_start3A_180 : memref<1000000xf32, #tpu.memory_space<hbm>>) target(%dma_start3A_175 : memref<12800xf32, #tpu.memory_space<vmem>>) offsets(%dma_start3A_178 : memref<12800xi32, #tpu.memory_space<vmem>>) semaphore(%arg13 : memref<!tpu.dma_semaphore, #tpu.memory_space<semaphore_mem>>)
    %dma_wait3A_181 = arith.constant 1 : i32
    %dma_wait3A_182 = arith.constant 1 : i32
    %dma_wait3A_183 = arith.constant 0 : i32
    %dma_wait3A_184 = tpu.memref_slice %arg7[%dma_wait3A_182, %dma_wait3A_183] : memref<2x12800xf32, #tpu.memory_space<vmem>> -> memref<1x12800xf32, #tpu.memory_space<vmem>>
    %dma_wait3A_185 = tpu.memref_squeeze %dma_wait3A_184 : memref<1x12800xf32, #tpu.memory_space<vmem>> -> memref<12800xf32, #tpu.memory_space<vmem>>
    %dma_wait3A_186 = arith.constant 0 : i32
    %dma_wait3A_187 = tpu.memref_slice %arg6[%dma_wait3A_181, %dma_wait3A_186] : memref<2x12800xi32, #tpu.memory_space<vmem>> -> memref<1x12800xi32, #tpu.memory_space<vmem>>
    %dma_wait3A_188 = tpu.memref_squeeze %dma_wait3A_187 : memref<1x12800xi32, #tpu.memory_space<vmem>> -> memref<12800xi32, #tpu.memory_space<vmem>>
    %dma_wait3A_189 = arith.constant 0 : i32
    %dma_wait3A_190 = tpu.memref_slice %arg3[%dma_wait3A_189] : memref<1000000xf32, #tpu.memory_space<hbm>> -> memref<1000000xf32, #tpu.memory_space<hbm>>
    tpu.wait_indirect_dma semaphore(%arg12 : memref<!tpu.dma_semaphore, #tpu.memory_space<semaphore_mem>>) src(%dma_wait3A_190 : memref<1000000xf32, #tpu.memory_space<hbm>>) dst(%dma_wait3A_185 : memref<12800xf32, #tpu.memory_space<vmem>>)
    %dma_wait3A_191 = arith.constant 1 : i32
    %dma_wait3A_192 = arith.constant 1 : i32
    %dma_wait3A_193 = arith.constant 0 : i32
    %dma_wait3A_194 = tpu.memref_slice %arg8[%dma_wait3A_192, %dma_wait3A_193] : memref<2x12800xf32, #tpu.memory_space<vmem>> -> memref<1x12800xf32, #tpu.memory_space<vmem>>
    %dma_wait3A_195 = tpu.memref_squeeze %dma_wait3A_194 : memref<1x12800xf32, #tpu.memory_space<vmem>> -> memref<12800xf32, #tpu.memory_space<vmem>>
    %dma_wait3A_196 = arith.constant 0 : i32
    %dma_wait3A_197 = tpu.memref_slice %arg6[%dma_wait3A_191, %dma_wait3A_196] : memref<2x12800xi32, #tpu.memory_space<vmem>> -> memref<1x12800xi32, #tpu.memory_space<vmem>>
    %dma_wait3A_198 = tpu.memref_squeeze %dma_wait3A_197 : memref<1x12800xi32, #tpu.memory_space<vmem>> -> memref<12800xi32, #tpu.memory_space<vmem>>
    %dma_wait3A_199 = arith.constant 0 : i32
    %dma_wait3A_200 = tpu.memref_slice %arg4[%dma_wait3A_199] : memref<1000000xf32, #tpu.memory_space<hbm>> -> memref<1000000xf32, #tpu.memory_space<hbm>>
    tpu.wait_indirect_dma semaphore(%arg14 : memref<!tpu.dma_semaphore, #tpu.memory_space<semaphore_mem>>) src(%dma_wait3A_200 : memref<1000000xf32, #tpu.memory_space<hbm>>) dst(%dma_wait3A_195 : memref<12800xf32, #tpu.memory_space<vmem>>)
    %add3A_201 = arith.constant 12800 : i32
    %add3A_202 = arith.addi %mul3A_2, %add3A_201 : i32
    %dma_start3A_203 = arith.constant 1 : i32
    %dma_start3A_204 = arith.constant 0 : i32
    %dma_start3A_205 = tpu.memref_slice %arg7[%dma_start3A_203, %dma_start3A_204] : memref<2x12800xf32, #tpu.memory_space<vmem>> -> memref<1x12800xf32, #tpu.memory_space<vmem>>
    %dma_start3A_206 = tpu.memref_squeeze %dma_start3A_205 : memref<1x12800xf32, #tpu.memory_space<vmem>> -> memref<12800xf32, #tpu.memory_space<vmem>>
    %dma_start3A_207 = tpu.memref_slice %arg5[%add3A_202] : memref<6553600xf32, #tpu.memory_space<hbm>> -> memref<12800xf32, #tpu.memory_space<hbm>>
    %dma_start3A_208 = tpu.memref_slice %arg5[%add3A_202] : memref<6553600xf32, #tpu.memory_space<hbm>> -> memref<12800xf32, #tpu.memory_space<hbm>>
    %dma_start3A_209 = arith.constant 0 : i32
    %dma_start3A_210 = tpu.memref_slice %arg7[%dma_start3A_203, %dma_start3A_209] : memref<2x12800xf32, #tpu.memory_space<vmem>> -> memref<1x12800xf32, #tpu.memory_space<vmem>>
    %dma_start3A_211 = tpu.memref_squeeze %dma_start3A_210 : memref<1x12800xf32, #tpu.memory_space<vmem>> -> memref<12800xf32, #tpu.memory_space<vmem>>
    tpu.enqueue_dma source(%dma_start3A_211 : memref<12800xf32, #tpu.memory_space<vmem>>) target(%dma_start3A_208 : memref<12800xf32, #tpu.memory_space<hbm>>) target_semaphore(%arg16 : memref<!tpu.dma_semaphore, #tpu.memory_space<semaphore_mem>>)
    %add3A_212 = arith.constant 3276800 : i32
    %add3A_213 = arith.addi %add3A_212, %add3A_202 : i32
    %dma_start3A_214 = arith.constant 1 : i32
    %dma_start3A_215 = arith.constant 0 : i32
    %dma_start3A_216 = tpu.memref_slice %arg8[%dma_start3A_214, %dma_start3A_215] : memref<2x12800xf32, #tpu.memory_space<vmem>> -> memref<1x12800xf32, #tpu.memory_space<vmem>>
    %dma_start3A_217 = tpu.memref_squeeze %dma_start3A_216 : memref<1x12800xf32, #tpu.memory_space<vmem>> -> memref<12800xf32, #tpu.memory_space<vmem>>
    %dma_start3A_218 = tpu.memref_slice %arg5[%add3A_213] : memref<6553600xf32, #tpu.memory_space<hbm>> -> memref<12800xf32, #tpu.memory_space<hbm>>
    %dma_start3A_219 = tpu.memref_slice %arg5[%add3A_213] : memref<6553600xf32, #tpu.memory_space<hbm>> -> memref<12800xf32, #tpu.memory_space<hbm>>
    %dma_start3A_220 = arith.constant 0 : i32
    %dma_start3A_221 = tpu.memref_slice %arg8[%dma_start3A_214, %dma_start3A_220] : memref<2x12800xf32, #tpu.memory_space<vmem>> -> memref<1x12800xf32, #tpu.memory_space<vmem>>
    %dma_start3A_222 = tpu.memref_squeeze %dma_start3A_221 : memref<1x12800xf32, #tpu.memory_space<vmem>> -> memref<12800xf32, #tpu.memory_space<vmem>>
    tpu.enqueue_dma source(%dma_start3A_222 : memref<12800xf32, #tpu.memory_space<vmem>>) target(%dma_start3A_219 : memref<12800xf32, #tpu.memory_space<hbm>>) target_semaphore(%arg18 : memref<!tpu.dma_semaphore, #tpu.memory_space<semaphore_mem>>)
    %add3A_223 = arith.constant 38400 : i32
    %add3A_224 = arith.addi %mul3A_2, %add3A_223 : i32
    %dma_start3A_225 = arith.constant 1 : i32
    %dma_start3A_226 = arith.constant 0 : i32
    %dma_start3A_227 = tpu.memref_slice %arg6[%dma_start3A_225, %dma_start3A_226] : memref<2x12800xi32, #tpu.memory_space<vmem>> -> memref<1x12800xi32, #tpu.memory_space<vmem>>
    %dma_start3A_228 = tpu.memref_squeeze %dma_start3A_227 : memref<1x12800xi32, #tpu.memory_space<vmem>> -> memref<12800xi32, #tpu.memory_space<vmem>>
    %dma_start3A_229 = tpu.memref_slice %arg2[%add3A_224] : memref<3276800xi32, #tpu.memory_space<hbm>> -> memref<12800xi32, #tpu.memory_space<hbm>>
    %dma_start3A_230 = arith.constant 0 : i32
    %dma_start3A_231 = tpu.memref_slice %arg6[%dma_start3A_225, %dma_start3A_230] : memref<2x12800xi32, #tpu.memory_space<vmem>> -> memref<1x12800xi32, #tpu.memory_space<vmem>>
    %dma_start3A_232 = tpu.memref_squeeze %dma_start3A_231 : memref<1x12800xi32, #tpu.memory_space<vmem>> -> memref<12800xi32, #tpu.memory_space<vmem>>
    %dma_start3A_233 = tpu.memref_slice %arg2[%add3A_224] : memref<3276800xi32, #tpu.memory_space<hbm>> -> memref<12800xi32, #tpu.memory_space<hbm>>
    tpu.enqueue_dma source(%dma_start3A_233 : memref<12800xi32, #tpu.memory_space<hbm>>) target(%dma_start3A_232 : memref<12800xi32, #tpu.memory_space<vmem>>) target_semaphore(%arg10 : memref<!tpu.dma_semaphore, #tpu.memory_space<semaphore_mem>>)
    %dma_wait3A_234 = arith.constant 1 : i32
    %dma_wait3A_235 = arith.constant 0 : i32
    %dma_wait3A_236 = tpu.memref_slice %arg6[%dma_wait3A_234, %dma_wait3A_235] : memref<2x12800xi32, #tpu.memory_space<vmem>> -> memref<1x12800xi32, #tpu.memory_space<vmem>>
    %dma_wait3A_237 = tpu.memref_squeeze %dma_wait3A_236 : memref<1x12800xi32, #tpu.memory_space<vmem>> -> memref<12800xi32, #tpu.memory_space<vmem>>
    %dma_wait3A_238 = tpu.memref_slice %arg2[%add3A_224] : memref<3276800xi32, #tpu.memory_space<hbm>> -> memref<12800xi32, #tpu.memory_space<hbm>>
    %dma_wait3A_239 = arith.constant 0 : i32
    %dma_wait3A_240 = tpu.memref_slice %arg6[%dma_wait3A_234, %dma_wait3A_239] : memref<2x12800xi32, #tpu.memory_space<vmem>> -> memref<1x12800xi32, #tpu.memory_space<vmem>>
    %dma_wait3A_241 = tpu.memref_squeeze %dma_wait3A_240 : memref<1x12800xi32, #tpu.memory_space<vmem>> -> memref<12800xi32, #tpu.memory_space<vmem>>
    %dma_wait3A_242 = tpu.memref_slice %arg2[%add3A_224] : memref<3276800xi32, #tpu.memory_space<hbm>> -> memref<12800xi32, #tpu.memory_space<hbm>>
    tpu.wait_dma2 semaphore(%arg10 : memref<!tpu.dma_semaphore, #tpu.memory_space<semaphore_mem>>) src(%dma_wait3A_242 : memref<12800xi32, #tpu.memory_space<hbm>>) dst(%dma_wait3A_241 : memref<12800xi32, #tpu.memory_space<vmem>>)
    %dma_wait3A_243 = arith.constant 1 : i32
    %dma_wait3A_244 = arith.constant 0 : i32
    %dma_wait3A_245 = tpu.memref_slice %arg7[%dma_wait3A_243, %dma_wait3A_244] : memref<2x12800xf32, #tpu.memory_space<vmem>> -> memref<1x12800xf32, #tpu.memory_space<vmem>>
    %dma_wait3A_246 = tpu.memref_squeeze %dma_wait3A_245 : memref<1x12800xf32, #tpu.memory_space<vmem>> -> memref<12800xf32, #tpu.memory_space<vmem>>
    %dma_wait3A_247 = tpu.memref_slice %arg5[%add3A_202] : memref<6553600xf32, #tpu.memory_space<hbm>> -> memref<12800xf32, #tpu.memory_space<hbm>>
    %dma_wait3A_248 = tpu.memref_slice %arg5[%add3A_202] : memref<6553600xf32, #tpu.memory_space<hbm>> -> memref<12800xf32, #tpu.memory_space<hbm>>
    %dma_wait3A_249 = arith.constant 0 : i32
    %dma_wait3A_250 = tpu.memref_slice %arg7[%dma_wait3A_243, %dma_wait3A_249] : memref<2x12800xf32, #tpu.memory_space<vmem>> -> memref<1x12800xf32, #tpu.memory_space<vmem>>
    %dma_wait3A_251 = tpu.memref_squeeze %dma_wait3A_250 : memref<1x12800xf32, #tpu.memory_space<vmem>> -> memref<12800xf32, #tpu.memory_space<vmem>>
    tpu.wait_dma2 semaphore(%arg16 : memref<!tpu.dma_semaphore, #tpu.memory_space<semaphore_mem>>) src(%dma_wait3A_251 : memref<12800xf32, #tpu.memory_space<vmem>>) dst(%dma_wait3A_248 : memref<12800xf32, #tpu.memory_space<hbm>>)
    %dma_wait3A_252 = arith.constant 1 : i32
    %dma_wait3A_253 = arith.constant 0 : i32
    %dma_wait3A_254 = tpu.memref_slice %arg8[%dma_wait3A_252, %dma_wait3A_253] : memref<2x12800xf32, #tpu.memory_space<vmem>> -> memref<1x12800xf32, #tpu.memory_space<vmem>>
    %dma_wait3A_255 = tpu.memref_squeeze %dma_wait3A_254 : memref<1x12800xf32, #tpu.memory_space<vmem>> -> memref<12800xf32, #tpu.memory_space<vmem>>
    %dma_wait3A_256 = tpu.memref_slice %arg5[%add3A_213] : memref<6553600xf32, #tpu.memory_space<hbm>> -> memref<12800xf32, #tpu.memory_space<hbm>>
    %dma_wait3A_257 = tpu.memref_slice %arg5[%add3A_213] : memref<6553600xf32, #tpu.memory_space<hbm>> -> memref<12800xf32, #tpu.memory_space<hbm>>
    %dma_wait3A_258 = arith.constant 0 : i32
    %dma_wait3A_259 = tpu.memref_slice %arg8[%dma_wait3A_252, %dma_wait3A_258] : memref<2x12800xf32, #tpu.memory_space<vmem>> -> memref<1x12800xf32, #tpu.memory_space<vmem>>
    %dma_wait3A_260 = tpu.memref_squeeze %dma_wait3A_259 : memref<1x12800xf32, #tpu.memory_space<vmem>> -> memref<12800xf32, #tpu.memory_space<vmem>>
    tpu.wait_dma2 semaphore(%arg18 : memref<!tpu.dma_semaphore, #tpu.memory_space<semaphore_mem>>) src(%dma_wait3A_260 : memref<12800xf32, #tpu.memory_space<vmem>>) dst(%dma_wait3A_257 : memref<12800xf32, #tpu.memory_space<hbm>>)
    %dma_start3A_261 = arith.constant 1 : i32
    %dma_start3A_262 = arith.constant 1 : i32
    %dma_start3A_263 = arith.constant 0 : i32
    %dma_start3A_264 = tpu.memref_slice %arg7[%dma_start3A_262, %dma_start3A_263] : memref<2x12800xf32, #tpu.memory_space<vmem>> -> memref<1x12800xf32, #tpu.memory_space<vmem>>
    %dma_start3A_265 = tpu.memref_squeeze %dma_start3A_264 : memref<1x12800xf32, #tpu.memory_space<vmem>> -> memref<12800xf32, #tpu.memory_space<vmem>>
    %dma_start3A_266 = arith.constant 0 : i32
    %dma_start3A_267 = tpu.memref_slice %arg6[%dma_start3A_261, %dma_start3A_266] : memref<2x12800xi32, #tpu.memory_space<vmem>> -> memref<1x12800xi32, #tpu.memory_space<vmem>>
    %dma_start3A_268 = tpu.memref_squeeze %dma_start3A_267 : memref<1x12800xi32, #tpu.memory_space<vmem>> -> memref<12800xi32, #tpu.memory_space<vmem>>
    %dma_start3A_269 = arith.constant 0 : i32
    %dma_start3A_270 = tpu.memref_slice %arg3[%dma_start3A_269] : memref<1000000xf32, #tpu.memory_space<hbm>> -> memref<1000000xf32, #tpu.memory_space<hbm>>
    tpu.enqueue_indirect_dma source(%dma_start3A_270 : memref<1000000xf32, #tpu.memory_space<hbm>>) target(%dma_start3A_265 : memref<12800xf32, #tpu.memory_space<vmem>>) offsets(%dma_start3A_268 : memref<12800xi32, #tpu.memory_space<vmem>>) semaphore(%arg12 : memref<!tpu.dma_semaphore, #tpu.memory_space<semaphore_mem>>)
    %dma_start3A_271 = arith.constant 1 : i32
    %dma_start3A_272 = arith.constant 1 : i32
    %dma_start3A_273 = arith.constant 0 : i32
    %dma_start3A_274 = tpu.memref_slice %arg8[%dma_start3A_272, %dma_start3A_273] : memref<2x12800xf32, #tpu.memory_space<vmem>> -> memref<1x12800xf32, #tpu.memory_space<vmem>>
    %dma_start3A_275 = tpu.memref_squeeze %dma_start3A_274 : memref<1x12800xf32, #tpu.memory_space<vmem>> -> memref<12800xf32, #tpu.memory_space<vmem>>
    %dma_start3A_276 = arith.constant 0 : i32
    %dma_start3A_277 = tpu.memref_slice %arg6[%dma_start3A_271, %dma_start3A_276] : memref<2x12800xi32, #tpu.memory_space<vmem>> -> memref<1x12800xi32, #tpu.memory_space<vmem>>
    %dma_start3A_278 = tpu.memref_squeeze %dma_start3A_277 : memref<1x12800xi32, #tpu.memory_space<vmem>> -> memref<12800xi32, #tpu.memory_space<vmem>>
    %dma_start3A_279 = arith.constant 0 : i32
    %dma_start3A_280 = tpu.memref_slice %arg4[%dma_start3A_279] : memref<1000000xf32, #tpu.memory_space<hbm>> -> memref<1000000xf32, #tpu.memory_space<hbm>>
    tpu.enqueue_indirect_dma source(%dma_start3A_280 : memref<1000000xf32, #tpu.memory_space<hbm>>) target(%dma_start3A_275 : memref<12800xf32, #tpu.memory_space<vmem>>) offsets(%dma_start3A_278 : memref<12800xi32, #tpu.memory_space<vmem>>) semaphore(%arg14 : memref<!tpu.dma_semaphore, #tpu.memory_space<semaphore_mem>>)
    %dma_wait3A_281 = arith.constant 0 : i32
    %dma_wait3A_282 = arith.constant 0 : i32
    %dma_wait3A_283 = arith.constant 0 : i32
    %dma_wait3A_284 = tpu.memref_slice %arg7[%dma_wait3A_282, %dma_wait3A_283] : memref<2x12800xf32, #tpu.memory_space<vmem>> -> memref<1x12800xf32, #tpu.memory_space<vmem>>
    %dma_wait3A_285 = tpu.memref_squeeze %dma_wait3A_284 : memref<1x12800xf32, #tpu.memory_space<vmem>> -> memref<12800xf32, #tpu.memory_space<vmem>>
    %dma_wait3A_286 = arith.constant 0 : i32
    %dma_wait3A_287 = tpu.memref_slice %arg6[%dma_wait3A_281, %dma_wait3A_286] : memref<2x12800xi32, #tpu.memory_space<vmem>> -> memref<1x12800xi32, #tpu.memory_space<vmem>>
    %dma_wait3A_288 = tpu.memref_squeeze %dma_wait3A_287 : memref<1x12800xi32, #tpu.memory_space<vmem>> -> memref<12800xi32, #tpu.memory_space<vmem>>
    %dma_wait3A_289 = arith.constant 0 : i32
    %dma_wait3A_290 = tpu.memref_slice %arg3[%dma_wait3A_289] : memref<1000000xf32, #tpu.memory_space<hbm>> -> memref<1000000xf32, #tpu.memory_space<hbm>>
    tpu.wait_indirect_dma semaphore(%arg11 : memref<!tpu.dma_semaphore, #tpu.memory_space<semaphore_mem>>) src(%dma_wait3A_290 : memref<1000000xf32, #tpu.memory_space<hbm>>) dst(%dma_wait3A_285 : memref<12800xf32, #tpu.memory_space<vmem>>)
    %dma_wait3A_291 = arith.constant 0 : i32
    %dma_wait3A_292 = arith.constant 0 : i32
    %dma_wait3A_293 = arith.constant 0 : i32
    %dma_wait3A_294 = tpu.memref_slice %arg8[%dma_wait3A_292, %dma_wait3A_293] : memref<2x12800xf32, #tpu.memory_space<vmem>> -> memref<1x12800xf32, #tpu.memory_space<vmem>>
    %dma_wait3A_295 = tpu.memref_squeeze %dma_wait3A_294 : memref<1x12800xf32, #tpu.memory_space<vmem>> -> memref<12800xf32, #tpu.memory_space<vmem>>
    %dma_wait3A_296 = arith.constant 0 : i32
    %dma_wait3A_297 = tpu.memref_slice %arg6[%dma_wait3A_291, %dma_wait3A_296] : memref<2x12800xi32, #tpu.memory_space<vmem>> -> memref<1x12800xi32, #tpu.memory_space<vmem>>
    %dma_wait3A_298 = tpu.memref_squeeze %dma_wait3A_297 : memref<1x12800xi32, #tpu.memory_space<vmem>> -> memref<12800xi32, #tpu.memory_space<vmem>>
    %dma_wait3A_299 = arith.constant 0 : i32
    %dma_wait3A_300 = tpu.memref_slice %arg4[%dma_wait3A_299] : memref<1000000xf32, #tpu.memory_space<hbm>> -> memref<1000000xf32, #tpu.memory_space<hbm>>
    tpu.wait_indirect_dma semaphore(%arg13 : memref<!tpu.dma_semaphore, #tpu.memory_space<semaphore_mem>>) src(%dma_wait3A_300 : memref<1000000xf32, #tpu.memory_space<hbm>>) dst(%dma_wait3A_295 : memref<12800xf32, #tpu.memory_space<vmem>>)
    %add3A_301 = arith.constant 25600 : i32
    %add3A_302 = arith.addi %mul3A_2, %add3A_301 : i32
    %dma_start3A_303 = arith.constant 0 : i32
    %dma_start3A_304 = arith.constant 0 : i32
    %dma_start3A_305 = tpu.memref_slice %arg7[%dma_start3A_303, %dma_start3A_304] : memref<2x12800xf32, #tpu.memory_space<vmem>> -> memref<1x12800xf32, #tpu.memory_space<vmem>>
    %dma_start3A_306 = tpu.memref_squeeze %dma_start3A_305 : memref<1x12800xf32, #tpu.memory_space<vmem>> -> memref<12800xf32, #tpu.memory_space<vmem>>
    %dma_start3A_307 = tpu.memref_slice %arg5[%add3A_302] : memref<6553600xf32, #tpu.memory_space<hbm>> -> memref<12800xf32, #tpu.memory_space<hbm>>
    %dma_start3A_308 = tpu.memref_slice %arg5[%add3A_302] : memref<6553600xf32, #tpu.memory_space<hbm>> -> memref<12800xf32, #tpu.memory_space<hbm>>
    %dma_start3A_309 = arith.constant 0 : i32
    %dma_start3A_310 = tpu.memref_slice %arg7[%dma_start3A_303, %dma_start3A_309] : memref<2x12800xf32, #tpu.memory_space<vmem>> -> memref<1x12800xf32, #tpu.memory_space<vmem>>
    %dma_start3A_311 = tpu.memref_squeeze %dma_start3A_310 : memref<1x12800xf32, #tpu.memory_space<vmem>> -> memref<12800xf32, #tpu.memory_space<vmem>>
    tpu.enqueue_dma source(%dma_start3A_311 : memref<12800xf32, #tpu.memory_space<vmem>>) target(%dma_start3A_308 : memref<12800xf32, #tpu.memory_space<hbm>>) target_semaphore(%arg15 : memref<!tpu.dma_semaphore, #tpu.memory_space<semaphore_mem>>)
    %add3A_312 = arith.constant 3276800 : i32
    %add3A_313 = arith.addi %add3A_312, %add3A_302 : i32
    %dma_start3A_314 = arith.constant 0 : i32
    %dma_start3A_315 = arith.constant 0 : i32
    %dma_start3A_316 = tpu.memref_slice %arg8[%dma_start3A_314, %dma_start3A_315] : memref<2x12800xf32, #tpu.memory_space<vmem>> -> memref<1x12800xf32, #tpu.memory_space<vmem>>
    %dma_start3A_317 = tpu.memref_squeeze %dma_start3A_316 : memref<1x12800xf32, #tpu.memory_space<vmem>> -> memref<12800xf32, #tpu.memory_space<vmem>>
    %dma_start3A_318 = tpu.memref_slice %arg5[%add3A_313] : memref<6553600xf32, #tpu.memory_space<hbm>> -> memref<12800xf32, #tpu.memory_space<hbm>>
    %dma_start3A_319 = tpu.memref_slice %arg5[%add3A_313] : memref<6553600xf32, #tpu.memory_space<hbm>> -> memref<12800xf32, #tpu.memory_space<hbm>>
    %dma_start3A_320 = arith.constant 0 : i32
    %dma_start3A_321 = tpu.memref_slice %arg8[%dma_start3A_314, %dma_start3A_320] : memref<2x12800xf32, #tpu.memory_space<vmem>> -> memref<1x12800xf32, #tpu.memory_space<vmem>>
    %dma_start3A_322 = tpu.memref_squeeze %dma_start3A_321 : memref<1x12800xf32, #tpu.memory_space<vmem>> -> memref<12800xf32, #tpu.memory_space<vmem>>
    tpu.enqueue_dma source(%dma_start3A_322 : memref<12800xf32, #tpu.memory_space<vmem>>) target(%dma_start3A_319 : memref<12800xf32, #tpu.memory_space<hbm>>) target_semaphore(%arg17 : memref<!tpu.dma_semaphore, #tpu.memory_space<semaphore_mem>>)
    %add3A_323 = arith.constant 51200 : i32
    %add3A_324 = arith.addi %mul3A_2, %add3A_323 : i32
    %dma_start3A_325 = arith.constant 0 : i32
    %dma_start3A_326 = arith.constant 0 : i32
    %dma_start3A_327 = tpu.memref_slice %arg6[%dma_start3A_325, %dma_start3A_326] : memref<2x12800xi32, #tpu.memory_space<vmem>> -> memref<1x12800xi32, #tpu.memory_space<vmem>>
    %dma_start3A_328 = tpu.memref_squeeze %dma_start3A_327 : memref<1x12800xi32, #tpu.memory_space<vmem>> -> memref<12800xi32, #tpu.memory_space<vmem>>
    %dma_start3A_329 = tpu.memref_slice %arg2[%add3A_324] : memref<3276800xi32, #tpu.memory_space<hbm>> -> memref<12800xi32, #tpu.memory_space<hbm>>
    %dma_start3A_330 = arith.constant 0 : i32
    %dma_start3A_331 = tpu.memref_slice %arg6[%dma_start3A_325, %dma_start3A_330] : memref<2x12800xi32, #tpu.memory_space<vmem>> -> memref<1x12800xi32, #tpu.memory_space<vmem>>
    %dma_start3A_332 = tpu.memref_squeeze %dma_start3A_331 : memref<1x12800xi32, #tpu.memory_space<vmem>> -> memref<12800xi32, #tpu.memory_space<vmem>>
    %dma_start3A_333 = tpu.memref_slice %arg2[%add3A_324] : memref<3276800xi32, #tpu.memory_space<hbm>> -> memref<12800xi32, #tpu.memory_space<hbm>>
    tpu.enqueue_dma source(%dma_start3A_333 : memref<12800xi32, #tpu.memory_space<hbm>>) target(%dma_start3A_332 : memref<12800xi32, #tpu.memory_space<vmem>>) target_semaphore(%arg9 : memref<!tpu.dma_semaphore, #tpu.memory_space<semaphore_mem>>)
    %dma_wait3A_334 = arith.constant 0 : i32
    %dma_wait3A_335 = arith.constant 0 : i32
    %dma_wait3A_336 = tpu.memref_slice %arg6[%dma_wait3A_334, %dma_wait3A_335] : memref<2x12800xi32, #tpu.memory_space<vmem>> -> memref<1x12800xi32, #tpu.memory_space<vmem>>
    %dma_wait3A_337 = tpu.memref_squeeze %dma_wait3A_336 : memref<1x12800xi32, #tpu.memory_space<vmem>> -> memref<12800xi32, #tpu.memory_space<vmem>>
    %dma_wait3A_338 = tpu.memref_slice %arg2[%add3A_324] : memref<3276800xi32, #tpu.memory_space<hbm>> -> memref<12800xi32, #tpu.memory_space<hbm>>
    %dma_wait3A_339 = arith.constant 0 : i32
    %dma_wait3A_340 = tpu.memref_slice %arg6[%dma_wait3A_334, %dma_wait3A_339] : memref<2x12800xi32, #tpu.memory_space<vmem>> -> memref<1x12800xi32, #tpu.memory_space<vmem>>
    %dma_wait3A_341 = tpu.memref_squeeze %dma_wait3A_340 : memref<1x12800xi32, #tpu.memory_space<vmem>> -> memref<12800xi32, #tpu.memory_space<vmem>>
    %dma_wait3A_342 = tpu.memref_slice %arg2[%add3A_324] : memref<3276800xi32, #tpu.memory_space<hbm>> -> memref<12800xi32, #tpu.memory_space<hbm>>
    tpu.wait_dma2 semaphore(%arg9 : memref<!tpu.dma_semaphore, #tpu.memory_space<semaphore_mem>>) src(%dma_wait3A_342 : memref<12800xi32, #tpu.memory_space<hbm>>) dst(%dma_wait3A_341 : memref<12800xi32, #tpu.memory_space<vmem>>)
    %dma_wait3A_343 = arith.constant 0 : i32
    %dma_wait3A_344 = arith.constant 0 : i32
    %dma_wait3A_345 = tpu.memref_slice %arg7[%dma_wait3A_343, %dma_wait3A_344] : memref<2x12800xf32, #tpu.memory_space<vmem>> -> memref<1x12800xf32, #tpu.memory_space<vmem>>
    %dma_wait3A_346 = tpu.memref_squeeze %dma_wait3A_345 : memref<1x12800xf32, #tpu.memory_space<vmem>> -> memref<12800xf32, #tpu.memory_space<vmem>>
    %dma_wait3A_347 = tpu.memref_slice %arg5[%add3A_302] : memref<6553600xf32, #tpu.memory_space<hbm>> -> memref<12800xf32, #tpu.memory_space<hbm>>
    %dma_wait3A_348 = tpu.memref_slice %arg5[%add3A_302] : memref<6553600xf32, #tpu.memory_space<hbm>> -> memref<12800xf32, #tpu.memory_space<hbm>>
    %dma_wait3A_349 = arith.constant 0 : i32
    %dma_wait3A_350 = tpu.memref_slice %arg7[%dma_wait3A_343, %dma_wait3A_349] : memref<2x12800xf32, #tpu.memory_space<vmem>> -> memref<1x12800xf32, #tpu.memory_space<vmem>>
    %dma_wait3A_351 = tpu.memref_squeeze %dma_wait3A_350 : memref<1x12800xf32, #tpu.memory_space<vmem>> -> memref<12800xf32, #tpu.memory_space<vmem>>
    tpu.wait_dma2 semaphore(%arg15 : memref<!tpu.dma_semaphore, #tpu.memory_space<semaphore_mem>>) src(%dma_wait3A_351 : memref<12800xf32, #tpu.memory_space<vmem>>) dst(%dma_wait3A_348 : memref<12800xf32, #tpu.memory_space<hbm>>)
    %dma_wait3A_352 = arith.constant 0 : i32
    %dma_wait3A_353 = arith.constant 0 : i32
    %dma_wait3A_354 = tpu.memref_slice %arg8[%dma_wait3A_352, %dma_wait3A_353] : memref<2x12800xf32, #tpu.memory_space<vmem>> -> memref<1x12800xf32, #tpu.memory_space<vmem>>
    %dma_wait3A_355 = tpu.memref_squeeze %dma_wait3A_354 : memref<1x12800xf32, #tpu.memory_space<vmem>> -> memref<12800xf32, #tpu.memory_space<vmem>>
    %dma_wait3A_356 = tpu.memref_slice %arg5[%add3A_313] : memref<6553600xf32, #tpu.memory_space<hbm>> -> memref<12800xf32, #tpu.memory_space<hbm>>
    %dma_wait3A_357 = tpu.memref_slice %arg5[%add3A_313] : memref<6553600xf32, #tpu.memory_space<hbm>> -> memref<12800xf32, #tpu.memory_space<hbm>>
    %dma_wait3A_358 = arith.constant 0 : i32
    %dma_wait3A_359 = tpu.memref_slice %arg8[%dma_wait3A_352, %dma_wait3A_358] : memref<2x12800xf32, #tpu.memory_space<vmem>> -> memref<1x12800xf32, #tpu.memory_space<vmem>>
    %dma_wait3A_360 = tpu.memref_squeeze %dma_wait3A_359 : memref<1x12800xf32, #tpu.memory_space<vmem>> -> memref<12800xf32, #tpu.memory_space<vmem>>
    tpu.wait_dma2 semaphore(%arg17 : memref<!tpu.dma_semaphore, #tpu.memory_space<semaphore_mem>>) src(%dma_wait3A_360 : memref<12800xf32, #tpu.memory_space<vmem>>) dst(%dma_wait3A_357 : memref<12800xf32, #tpu.memory_space<hbm>>)
    %dma_start3A_361 = arith.constant 0 : i32
    %dma_start3A_362 = arith.constant 0 : i32
    %dma_start3A_363 = arith.constant 0 : i32
    %dma_start3A_364 = tpu.memref_slice %arg7[%dma_start3A_362, %dma_start3A_363] : memref<2x12800xf32, #tpu.memory_space<vmem>> -> memref<1x12800xf32, #tpu.memory_space<vmem>>
    %dma_start3A_365 = tpu.memref_squeeze %dma_start3A_364 : memref<1x12800xf32, #tpu.memory_space<vmem>> -> memref<12800xf32, #tpu.memory_space<vmem>>
    %dma_start3A_366 = arith.constant 0 : i32
    %dma_start3A_367 = tpu.memref_slice %arg6[%dma_start3A_361, %dma_start3A_366] : memref<2x12800xi32, #tpu.memory_space<vmem>> -> memref<1x12800xi32, #tpu.memory_space<vmem>>
    %dma_start3A_368 = tpu.memref_squeeze %dma_start3A_367 : memref<1x12800xi32, #tpu.memory_space<vmem>> -> memref<12800xi32, #tpu.memory_space<vmem>>
    %dma_start3A_369 = arith.constant 0 : i32
    %dma_start3A_370 = tpu.memref_slice %arg3[%dma_start3A_369] : memref<1000000xf32, #tpu.memory_space<hbm>> -> memref<1000000xf32, #tpu.memory_space<hbm>>
    tpu.enqueue_indirect_dma source(%dma_start3A_370 : memref<1000000xf32, #tpu.memory_space<hbm>>) target(%dma_start3A_365 : memref<12800xf32, #tpu.memory_space<vmem>>) offsets(%dma_start3A_368 : memref<12800xi32, #tpu.memory_space<vmem>>) semaphore(%arg11 : memref<!tpu.dma_semaphore, #tpu.memory_space<semaphore_mem>>)
    %dma_start3A_371 = arith.constant 0 : i32
    %dma_start3A_372 = arith.constant 0 : i32
    %dma_start3A_373 = arith.constant 0 : i32
    %dma_start3A_374 = tpu.memref_slice %arg8[%dma_start3A_372, %dma_start3A_373] : memref<2x12800xf32, #tpu.memory_space<vmem>> -> memref<1x12800xf32, #tpu.memory_space<vmem>>
    %dma_start3A_375 = tpu.memref_squeeze %dma_start3A_374 : memref<1x12800xf32, #tpu.memory_space<vmem>> -> memref<12800xf32, #tpu.memory_space<vmem>>
    %dma_start3A_376 = arith.constant 0 : i32
    %dma_start3A_377 = tpu.memref_slice %arg6[%dma_start3A_371, %dma_start3A_376] : memref<2x12800xi32, #tpu.memory_space<vmem>> -> memref<1x12800xi32, #tpu.memory_space<vmem>>
    %dma_start3A_378 = tpu.memref_squeeze %dma_start3A_377 : memref<1x12800xi32, #tpu.memory_space<vmem>> -> memref<12800xi32, #tpu.memory_space<vmem>>
    %dma_start3A_379 = arith.constant 0 : i32
    %dma_start3A_380 = tpu.memref_slice %arg4[%dma_start3A_379] : memref<1000000xf32, #tpu.memory_space<hbm>> -> memref<1000000xf32, #tpu.memory_space<hbm>>
    tpu.enqueue_indirect_dma source(%dma_start3A_380 : memref<1000000xf32, #tpu.memory_space<hbm>>) target(%dma_start3A_375 : memref<12800xf32, #tpu.memory_space<vmem>>) offsets(%dma_start3A_378 : memref<12800xi32, #tpu.memory_space<vmem>>) semaphore(%arg13 : memref<!tpu.dma_semaphore, #tpu.memory_space<semaphore_mem>>)
    %dma_wait3A_381 = arith.constant 1 : i32
    %dma_wait3A_382 = arith.constant 1 : i32
    %dma_wait3A_383 = arith.constant 0 : i32
    %dma_wait3A_384 = tpu.memref_slice %arg7[%dma_wait3A_382, %dma_wait3A_383] : memref<2x12800xf32, #tpu.memory_space<vmem>> -> memref<1x12800xf32, #tpu.memory_space<vmem>>
    %dma_wait3A_385 = tpu.memref_squeeze %dma_wait3A_384 : memref<1x12800xf32, #tpu.memory_space<vmem>> -> memref<12800xf32, #tpu.memory_space<vmem>>
    %dma_wait3A_386 = arith.constant 0 : i32
    %dma_wait3A_387 = tpu.memref_slice %arg6[%dma_wait3A_381, %dma_wait3A_386] : memref<2x12800xi32, #tpu.memory_space<vmem>> -> memref<1x12800xi32, #tpu.memory_space<vmem>>
    %dma_wait3A_388 = tpu.memref_squeeze %dma_wait3A_387 : memref<1x12800xi32, #tpu.memory_space<vmem>> -> memref<12800xi32, #tpu.memory_space<vmem>>
    %dma_wait3A_389 = arith.constant 0 : i32
    %dma_wait3A_390 = tpu.memref_slice %arg3[%dma_wait3A_389] : memref<1000000xf32, #tpu.memory_space<hbm>> -> memref<1000000xf32, #tpu.memory_space<hbm>>
    tpu.wait_indirect_dma semaphore(%arg12 : memref<!tpu.dma_semaphore, #tpu.memory_space<semaphore_mem>>) src(%dma_wait3A_390 : memref<1000000xf32, #tpu.memory_space<hbm>>) dst(%dma_wait3A_385 : memref<12800xf32, #tpu.memory_space<vmem>>)
    %dma_wait3A_391 = arith.constant 1 : i32
    %dma_wait3A_392 = arith.constant 1 : i32
    %dma_wait3A_393 = arith.constant 0 : i32
    %dma_wait3A_394 = tpu.memref_slice %arg8[%dma_wait3A_392, %dma_wait3A_393] : memref<2x12800xf32, #tpu.memory_space<vmem>> -> memref<1x12800xf32, #tpu.memory_space<vmem>>
    %dma_wait3A_395 = tpu.memref_squeeze %dma_wait3A_394 : memref<1x12800xf32, #tpu.memory_space<vmem>> -> memref<12800xf32, #tpu.memory_space<vmem>>
    %dma_wait3A_396 = arith.constant 0 : i32
    %dma_wait3A_397 = tpu.memref_slice %arg6[%dma_wait3A_391, %dma_wait3A_396] : memref<2x12800xi32, #tpu.memory_space<vmem>> -> memref<1x12800xi32, #tpu.memory_space<vmem>>
    %dma_wait3A_398 = tpu.memref_squeeze %dma_wait3A_397 : memref<1x12800xi32, #tpu.memory_space<vmem>> -> memref<12800xi32, #tpu.memory_space<vmem>>
    %dma_wait3A_399 = arith.constant 0 : i32
    %dma_wait3A_400 = tpu.memref_slice %arg4[%dma_wait3A_399] : memref<1000000xf32, #tpu.memory_space<hbm>> -> memref<1000000xf32, #tpu.memory_space<hbm>>
    tpu.wait_indirect_dma semaphore(%arg14 : memref<!tpu.dma_semaphore, #tpu.memory_space<semaphore_mem>>) src(%dma_wait3A_400 : memref<1000000xf32, #tpu.memory_space<hbm>>) dst(%dma_wait3A_395 : memref<12800xf32, #tpu.memory_space<vmem>>)
    %add3A_401 = arith.constant 38400 : i32
    %add3A_402 = arith.addi %mul3A_2, %add3A_401 : i32
    %dma_start3A_403 = arith.constant 1 : i32
    %dma_start3A_404 = arith.constant 0 : i32
    %dma_start3A_405 = tpu.memref_slice %arg7[%dma_start3A_403, %dma_start3A_404] : memref<2x12800xf32, #tpu.memory_space<vmem>> -> memref<1x12800xf32, #tpu.memory_space<vmem>>
    %dma_start3A_406 = tpu.memref_squeeze %dma_start3A_405 : memref<1x12800xf32, #tpu.memory_space<vmem>> -> memref<12800xf32, #tpu.memory_space<vmem>>
    %dma_start3A_407 = tpu.memref_slice %arg5[%add3A_402] : memref<6553600xf32, #tpu.memory_space<hbm>> -> memref<12800xf32, #tpu.memory_space<hbm>>
    %dma_start3A_408 = tpu.memref_slice %arg5[%add3A_402] : memref<6553600xf32, #tpu.memory_space<hbm>> -> memref<12800xf32, #tpu.memory_space<hbm>>
    %dma_start3A_409 = arith.constant 0 : i32
    %dma_start3A_410 = tpu.memref_slice %arg7[%dma_start3A_403, %dma_start3A_409] : memref<2x12800xf32, #tpu.memory_space<vmem>> -> memref<1x12800xf32, #tpu.memory_space<vmem>>
    %dma_start3A_411 = tpu.memref_squeeze %dma_start3A_410 : memref<1x12800xf32, #tpu.memory_space<vmem>> -> memref<12800xf32, #tpu.memory_space<vmem>>
    tpu.enqueue_dma source(%dma_start3A_411 : memref<12800xf32, #tpu.memory_space<vmem>>) target(%dma_start3A_408 : memref<12800xf32, #tpu.memory_space<hbm>>) target_semaphore(%arg16 : memref<!tpu.dma_semaphore, #tpu.memory_space<semaphore_mem>>)
    %add3A_412 = arith.constant 3276800 : i32
    %add3A_413 = arith.addi %add3A_412, %add3A_402 : i32
    %dma_start3A_414 = arith.constant 1 : i32
    %dma_start3A_415 = arith.constant 0 : i32
    %dma_start3A_416 = tpu.memref_slice %arg8[%dma_start3A_414, %dma_start3A_415] : memref<2x12800xf32, #tpu.memory_space<vmem>> -> memref<1x12800xf32, #tpu.memory_space<vmem>>
    %dma_start3A_417 = tpu.memref_squeeze %dma_start3A_416 : memref<1x12800xf32, #tpu.memory_space<vmem>> -> memref<12800xf32, #tpu.memory_space<vmem>>
    %dma_start3A_418 = tpu.memref_slice %arg5[%add3A_413] : memref<6553600xf32, #tpu.memory_space<hbm>> -> memref<12800xf32, #tpu.memory_space<hbm>>
    %dma_start3A_419 = tpu.memref_slice %arg5[%add3A_413] : memref<6553600xf32, #tpu.memory_space<hbm>> -> memref<12800xf32, #tpu.memory_space<hbm>>
    %dma_start3A_420 = arith.constant 0 : i32
    %dma_start3A_421 = tpu.memref_slice %arg8[%dma_start3A_414, %dma_start3A_420] : memref<2x12800xf32, #tpu.memory_space<vmem>> -> memref<1x12800xf32, #tpu.memory_space<vmem>>
    %dma_start3A_422 = tpu.memref_squeeze %dma_start3A_421 : memref<1x12800xf32, #tpu.memory_space<vmem>> -> memref<12800xf32, #tpu.memory_space<vmem>>
    tpu.enqueue_dma source(%dma_start3A_422 : memref<12800xf32, #tpu.memory_space<vmem>>) target(%dma_start3A_419 : memref<12800xf32, #tpu.memory_space<hbm>>) target_semaphore(%arg18 : memref<!tpu.dma_semaphore, #tpu.memory_space<semaphore_mem>>)
    %add3A_423 = arith.constant 64000 : i32
    %add3A_424 = arith.addi %mul3A_2, %add3A_423 : i32
    %dma_start3A_425 = arith.constant 1 : i32
    %dma_start3A_426 = arith.constant 0 : i32
    %dma_start3A_427 = tpu.memref_slice %arg6[%dma_start3A_425, %dma_start3A_426] : memref<2x12800xi32, #tpu.memory_space<vmem>> -> memref<1x12800xi32, #tpu.memory_space<vmem>>
    %dma_start3A_428 = tpu.memref_squeeze %dma_start3A_427 : memref<1x12800xi32, #tpu.memory_space<vmem>> -> memref<12800xi32, #tpu.memory_space<vmem>>
    %dma_start3A_429 = tpu.memref_slice %arg2[%add3A_424] : memref<3276800xi32, #tpu.memory_space<hbm>> -> memref<12800xi32, #tpu.memory_space<hbm>>
    %dma_start3A_430 = arith.constant 0 : i32
    %dma_start3A_431 = tpu.memref_slice %arg6[%dma_start3A_425, %dma_start3A_430] : memref<2x12800xi32, #tpu.memory_space<vmem>> -> memref<1x12800xi32, #tpu.memory_space<vmem>>
    %dma_start3A_432 = tpu.memref_squeeze %dma_start3A_431 : memref<1x12800xi32, #tpu.memory_space<vmem>> -> memref<12800xi32, #tpu.memory_space<vmem>>
    %dma_start3A_433 = tpu.memref_slice %arg2[%add3A_424] : memref<3276800xi32, #tpu.memory_space<hbm>> -> memref<12800xi32, #tpu.memory_space<hbm>>
    tpu.enqueue_dma source(%dma_start3A_433 : memref<12800xi32, #tpu.memory_space<hbm>>) target(%dma_start3A_432 : memref<12800xi32, #tpu.memory_space<vmem>>) target_semaphore(%arg10 : memref<!tpu.dma_semaphore, #tpu.memory_space<semaphore_mem>>)
    %dma_wait3A_434 = arith.constant 1 : i32
    %dma_wait3A_435 = arith.constant 0 : i32
    %dma_wait3A_436 = tpu.memref_slice %arg6[%dma_wait3A_434, %dma_wait3A_435] : memref<2x12800xi32, #tpu.memory_space<vmem>> -> memref<1x12800xi32, #tpu.memory_space<vmem>>
    %dma_wait3A_437 = tpu.memref_squeeze %dma_wait3A_436 : memref<1x12800xi32, #tpu.memory_space<vmem>> -> memref<12800xi32, #tpu.memory_space<vmem>>
    %dma_wait3A_438 = tpu.memref_slice %arg2[%add3A_424] : memref<3276800xi32, #tpu.memory_space<hbm>> -> memref<12800xi32, #tpu.memory_space<hbm>>
    %dma_wait3A_439 = arith.constant 0 : i32
    %dma_wait3A_440 = tpu.memref_slice %arg6[%dma_wait3A_434, %dma_wait3A_439] : memref<2x12800xi32, #tpu.memory_space<vmem>> -> memref<1x12800xi32, #tpu.memory_space<vmem>>
    %dma_wait3A_441 = tpu.memref_squeeze %dma_wait3A_440 : memref<1x12800xi32, #tpu.memory_space<vmem>> -> memref<12800xi32, #tpu.memory_space<vmem>>
    %dma_wait3A_442 = tpu.memref_slice %arg2[%add3A_424] : memref<3276800xi32, #tpu.memory_space<hbm>> -> memref<12800xi32, #tpu.memory_space<hbm>>
    tpu.wait_dma2 semaphore(%arg10 : memref<!tpu.dma_semaphore, #tpu.memory_space<semaphore_mem>>) src(%dma_wait3A_442 : memref<12800xi32, #tpu.memory_space<hbm>>) dst(%dma_wait3A_441 : memref<12800xi32, #tpu.memory_space<vmem>>)
    %dma_wait3A_443 = arith.constant 1 : i32
    %dma_wait3A_444 = arith.constant 0 : i32
    %dma_wait3A_445 = tpu.memref_slice %arg7[%dma_wait3A_443, %dma_wait3A_444] : memref<2x12800xf32, #tpu.memory_space<vmem>> -> memref<1x12800xf32, #tpu.memory_space<vmem>>
    %dma_wait3A_446 = tpu.memref_squeeze %dma_wait3A_445 : memref<1x12800xf32, #tpu.memory_space<vmem>> -> memref<12800xf32, #tpu.memory_space<vmem>>
    %dma_wait3A_447 = tpu.memref_slice %arg5[%add3A_402] : memref<6553600xf32, #tpu.memory_space<hbm>> -> memref<12800xf32, #tpu.memory_space<hbm>>
    %dma_wait3A_448 = tpu.memref_slice %arg5[%add3A_402] : memref<6553600xf32, #tpu.memory_space<hbm>> -> memref<12800xf32, #tpu.memory_space<hbm>>
    %dma_wait3A_449 = arith.constant 0 : i32
    %dma_wait3A_450 = tpu.memref_slice %arg7[%dma_wait3A_443, %dma_wait3A_449] : memref<2x12800xf32, #tpu.memory_space<vmem>> -> memref<1x12800xf32, #tpu.memory_space<vmem>>
    %dma_wait3A_451 = tpu.memref_squeeze %dma_wait3A_450 : memref<1x12800xf32, #tpu.memory_space<vmem>> -> memref<12800xf32, #tpu.memory_space<vmem>>
    tpu.wait_dma2 semaphore(%arg16 : memref<!tpu.dma_semaphore, #tpu.memory_space<semaphore_mem>>) src(%dma_wait3A_451 : memref<12800xf32, #tpu.memory_space<vmem>>) dst(%dma_wait3A_448 : memref<12800xf32, #tpu.memory_space<hbm>>)
    %dma_wait3A_452 = arith.constant 1 : i32
    %dma_wait3A_453 = arith.constant 0 : i32
    %dma_wait3A_454 = tpu.memref_slice %arg8[%dma_wait3A_452, %dma_wait3A_453] : memref<2x12800xf32, #tpu.memory_space<vmem>> -> memref<1x12800xf32, #tpu.memory_space<vmem>>
    %dma_wait3A_455 = tpu.memref_squeeze %dma_wait3A_454 : memref<1x12800xf32, #tpu.memory_space<vmem>> -> memref<12800xf32, #tpu.memory_space<vmem>>
    %dma_wait3A_456 = tpu.memref_slice %arg5[%add3A_413] : memref<6553600xf32, #tpu.memory_space<hbm>> -> memref<12800xf32, #tpu.memory_space<hbm>>
    %dma_wait3A_457 = tpu.memref_slice %arg5[%add3A_413] : memref<6553600xf32, #tpu.memory_space<hbm>> -> memref<12800xf32, #tpu.memory_space<hbm>>
    %dma_wait3A_458 = arith.constant 0 : i32
    %dma_wait3A_459 = tpu.memref_slice %arg8[%dma_wait3A_452, %dma_wait3A_458] : memref<2x12800xf32, #tpu.memory_space<vmem>> -> memref<1x12800xf32, #tpu.memory_space<vmem>>
    %dma_wait3A_460 = tpu.memref_squeeze %dma_wait3A_459 : memref<1x12800xf32, #tpu.memory_space<vmem>> -> memref<12800xf32, #tpu.memory_space<vmem>>
    tpu.wait_dma2 semaphore(%arg18 : memref<!tpu.dma_semaphore, #tpu.memory_space<semaphore_mem>>) src(%dma_wait3A_460 : memref<12800xf32, #tpu.memory_space<vmem>>) dst(%dma_wait3A_457 : memref<12800xf32, #tpu.memory_space<hbm>>)
    %dma_start3A_461 = arith.constant 1 : i32
    %dma_start3A_462 = arith.constant 1 : i32
    %dma_start3A_463 = arith.constant 0 : i32
    %dma_start3A_464 = tpu.memref_slice %arg7[%dma_start3A_462, %dma_start3A_463] : memref<2x12800xf32, #tpu.memory_space<vmem>> -> memref<1x12800xf32, #tpu.memory_space<vmem>>
    %dma_start3A_465 = tpu.memref_squeeze %dma_start3A_464 : memref<1x12800xf32, #tpu.memory_space<vmem>> -> memref<12800xf32, #tpu.memory_space<vmem>>
    %dma_start3A_466 = arith.constant 0 : i32
    %dma_start3A_467 = tpu.memref_slice %arg6[%dma_start3A_461, %dma_start3A_466] : memref<2x12800xi32, #tpu.memory_space<vmem>> -> memref<1x12800xi32, #tpu.memory_space<vmem>>
    %dma_start3A_468 = tpu.memref_squeeze %dma_start3A_467 : memref<1x12800xi32, #tpu.memory_space<vmem>> -> memref<12800xi32, #tpu.memory_space<vmem>>
    %dma_start3A_469 = arith.constant 0 : i32
    %dma_start3A_470 = tpu.memref_slice %arg3[%dma_start3A_469] : memref<1000000xf32, #tpu.memory_space<hbm>> -> memref<1000000xf32, #tpu.memory_space<hbm>>
    tpu.enqueue_indirect_dma source(%dma_start3A_470 : memref<1000000xf32, #tpu.memory_space<hbm>>) target(%dma_start3A_465 : memref<12800xf32, #tpu.memory_space<vmem>>) offsets(%dma_start3A_468 : memref<12800xi32, #tpu.memory_space<vmem>>) semaphore(%arg12 : memref<!tpu.dma_semaphore, #tpu.memory_space<semaphore_mem>>)
    %dma_start3A_471 = arith.constant 1 : i32
    %dma_start3A_472 = arith.constant 1 : i32
    %dma_start3A_473 = arith.constant 0 : i32
    %dma_start3A_474 = tpu.memref_slice %arg8[%dma_start3A_472, %dma_start3A_473] : memref<2x12800xf32, #tpu.memory_space<vmem>> -> memref<1x12800xf32, #tpu.memory_space<vmem>>
    %dma_start3A_475 = tpu.memref_squeeze %dma_start3A_474 : memref<1x12800xf32, #tpu.memory_space<vmem>> -> memref<12800xf32, #tpu.memory_space<vmem>>
    %dma_start3A_476 = arith.constant 0 : i32
    %dma_start3A_477 = tpu.memref_slice %arg6[%dma_start3A_471, %dma_start3A_476] : memref<2x12800xi32, #tpu.memory_space<vmem>> -> memref<1x12800xi32, #tpu.memory_space<vmem>>
    %dma_start3A_478 = tpu.memref_squeeze %dma_start3A_477 : memref<1x12800xi32, #tpu.memory_space<vmem>> -> memref<12800xi32, #tpu.memory_space<vmem>>
    %dma_start3A_479 = arith.constant 0 : i32
    %dma_start3A_480 = tpu.memref_slice %arg4[%dma_start3A_479] : memref<1000000xf32, #tpu.memory_space<hbm>> -> memref<1000000xf32, #tpu.memory_space<hbm>>
    tpu.enqueue_indirect_dma source(%dma_start3A_480 : memref<1000000xf32, #tpu.memory_space<hbm>>) target(%dma_start3A_475 : memref<12800xf32, #tpu.memory_space<vmem>>) offsets(%dma_start3A_478 : memref<12800xi32, #tpu.memory_space<vmem>>) semaphore(%arg14 : memref<!tpu.dma_semaphore, #tpu.memory_space<semaphore_mem>>)
    %dma_wait3A_481 = arith.constant 0 : i32
    %dma_wait3A_482 = arith.constant 0 : i32
    %dma_wait3A_483 = arith.constant 0 : i32
    %dma_wait3A_484 = tpu.memref_slice %arg7[%dma_wait3A_482, %dma_wait3A_483] : memref<2x12800xf32, #tpu.memory_space<vmem>> -> memref<1x12800xf32, #tpu.memory_space<vmem>>
    %dma_wait3A_485 = tpu.memref_squeeze %dma_wait3A_484 : memref<1x12800xf32, #tpu.memory_space<vmem>> -> memref<12800xf32, #tpu.memory_space<vmem>>
    %dma_wait3A_486 = arith.constant 0 : i32
    %dma_wait3A_487 = tpu.memref_slice %arg6[%dma_wait3A_481, %dma_wait3A_486] : memref<2x12800xi32, #tpu.memory_space<vmem>> -> memref<1x12800xi32, #tpu.memory_space<vmem>>
    %dma_wait3A_488 = tpu.memref_squeeze %dma_wait3A_487 : memref<1x12800xi32, #tpu.memory_space<vmem>> -> memref<12800xi32, #tpu.memory_space<vmem>>
    %dma_wait3A_489 = arith.constant 0 : i32
    %dma_wait3A_490 = tpu.memref_slice %arg3[%dma_wait3A_489] : memref<1000000xf32, #tpu.memory_space<hbm>> -> memref<1000000xf32, #tpu.memory_space<hbm>>
    tpu.wait_indirect_dma semaphore(%arg11 : memref<!tpu.dma_semaphore, #tpu.memory_space<semaphore_mem>>) src(%dma_wait3A_490 : memref<1000000xf32, #tpu.memory_space<hbm>>) dst(%dma_wait3A_485 : memref<12800xf32, #tpu.memory_space<vmem>>)
    %dma_wait3A_491 = arith.constant 0 : i32
    %dma_wait3A_492 = arith.constant 0 : i32
    %dma_wait3A_493 = arith.constant 0 : i32
    %dma_wait3A_494 = tpu.memref_slice %arg8[%dma_wait3A_492, %dma_wait3A_493] : memref<2x12800xf32, #tpu.memory_space<vmem>> -> memref<1x12800xf32, #tpu.memory_space<vmem>>
    %dma_wait3A_495 = tpu.memref_squeeze %dma_wait3A_494 : memref<1x12800xf32, #tpu.memory_space<vmem>> -> memref<12800xf32, #tpu.memory_space<vmem>>
    %dma_wait3A_496 = arith.constant 0 : i32
    %dma_wait3A_497 = tpu.memref_slice %arg6[%dma_wait3A_491, %dma_wait3A_496] : memref<2x12800xi32, #tpu.memory_space<vmem>> -> memref<1x12800xi32, #tpu.memory_space<vmem>>
    %dma_wait3A_498 = tpu.memref_squeeze %dma_wait3A_497 : memref<1x12800xi32, #tpu.memory_space<vmem>> -> memref<12800xi32, #tpu.memory_space<vmem>>
    %dma_wait3A_499 = arith.constant 0 : i32
    %dma_wait3A_500 = tpu.memref_slice %arg4[%dma_wait3A_499] : memref<1000000xf32, #tpu.memory_space<hbm>> -> memref<1000000xf32, #tpu.memory_space<hbm>>
    tpu.wait_indirect_dma semaphore(%arg13 : memref<!tpu.dma_semaphore, #tpu.memory_space<semaphore_mem>>) src(%dma_wait3A_500 : memref<1000000xf32, #tpu.memory_space<hbm>>) dst(%dma_wait3A_495 : memref<12800xf32, #tpu.memory_space<vmem>>)
    %add3A_501 = arith.constant 51200 : i32
    %add3A_502 = arith.addi %mul3A_2, %add3A_501 : i32
    %dma_start3A_503 = arith.constant 0 : i32
    %dma_start3A_504 = arith.constant 0 : i32
    %dma_start3A_505 = tpu.memref_slice %arg7[%dma_start3A_503, %dma_start3A_504] : memref<2x12800xf32, #tpu.memory_space<vmem>> -> memref<1x12800xf32, #tpu.memory_space<vmem>>
    %dma_start3A_506 = tpu.memref_squeeze %dma_start3A_505 : memref<1x12800xf32, #tpu.memory_space<vmem>> -> memref<12800xf32, #tpu.memory_space<vmem>>
    %dma_start3A_507 = tpu.memref_slice %arg5[%add3A_502] : memref<6553600xf32, #tpu.memory_space<hbm>> -> memref<12800xf32, #tpu.memory_space<hbm>>
    %dma_start3A_508 = tpu.memref_slice %arg5[%add3A_502] : memref<6553600xf32, #tpu.memory_space<hbm>> -> memref<12800xf32, #tpu.memory_space<hbm>>
    %dma_start3A_509 = arith.constant 0 : i32
    %dma_start3A_510 = tpu.memref_slice %arg7[%dma_start3A_503, %dma_start3A_509] : memref<2x12800xf32, #tpu.memory_space<vmem>> -> memref<1x12800xf32, #tpu.memory_space<vmem>>
    %dma_start3A_511 = tpu.memref_squeeze %dma_start3A_510 : memref<1x12800xf32, #tpu.memory_space<vmem>> -> memref<12800xf32, #tpu.memory_space<vmem>>
    tpu.enqueue_dma source(%dma_start3A_511 : memref<12800xf32, #tpu.memory_space<vmem>>) target(%dma_start3A_508 : memref<12800xf32, #tpu.memory_space<hbm>>) target_semaphore(%arg15 : memref<!tpu.dma_semaphore, #tpu.memory_space<semaphore_mem>>)
    %add3A_512 = arith.constant 3276800 : i32
    %add3A_513 = arith.addi %add3A_512, %add3A_502 : i32
    %dma_start3A_514 = arith.constant 0 : i32
    %dma_start3A_515 = arith.constant 0 : i32
    %dma_start3A_516 = tpu.memref_slice %arg8[%dma_start3A_514, %dma_start3A_515] : memref<2x12800xf32, #tpu.memory_space<vmem>> -> memref<1x12800xf32, #tpu.memory_space<vmem>>
    %dma_start3A_517 = tpu.memref_squeeze %dma_start3A_516 : memref<1x12800xf32, #tpu.memory_space<vmem>> -> memref<12800xf32, #tpu.memory_space<vmem>>
    %dma_start3A_518 = tpu.memref_slice %arg5[%add3A_513] : memref<6553600xf32, #tpu.memory_space<hbm>> -> memref<12800xf32, #tpu.memory_space<hbm>>
    %dma_start3A_519 = tpu.memref_slice %arg5[%add3A_513] : memref<6553600xf32, #tpu.memory_space<hbm>> -> memref<12800xf32, #tpu.memory_space<hbm>>
    %dma_start3A_520 = arith.constant 0 : i32
    %dma_start3A_521 = tpu.memref_slice %arg8[%dma_start3A_514, %dma_start3A_520] : memref<2x12800xf32, #tpu.memory_space<vmem>> -> memref<1x12800xf32, #tpu.memory_space<vmem>>
    %dma_start3A_522 = tpu.memref_squeeze %dma_start3A_521 : memref<1x12800xf32, #tpu.memory_space<vmem>> -> memref<12800xf32, #tpu.memory_space<vmem>>
    tpu.enqueue_dma source(%dma_start3A_522 : memref<12800xf32, #tpu.memory_space<vmem>>) target(%dma_start3A_519 : memref<12800xf32, #tpu.memory_space<hbm>>) target_semaphore(%arg17 : memref<!tpu.dma_semaphore, #tpu.memory_space<semaphore_mem>>)
    %add3A_523 = arith.constant 76800 : i32
    %add3A_524 = arith.addi %mul3A_2, %add3A_523 : i32
    %dma_start3A_525 = arith.constant 0 : i32
    %dma_start3A_526 = arith.constant 0 : i32
    %dma_start3A_527 = tpu.memref_slice %arg6[%dma_start3A_525, %dma_start3A_526] : memref<2x12800xi32, #tpu.memory_space<vmem>> -> memref<1x12800xi32, #tpu.memory_space<vmem>>
    %dma_start3A_528 = tpu.memref_squeeze %dma_start3A_527 : memref<1x12800xi32, #tpu.memory_space<vmem>> -> memref<12800xi32, #tpu.memory_space<vmem>>
    %dma_start3A_529 = tpu.memref_slice %arg2[%add3A_524] : memref<3276800xi32, #tpu.memory_space<hbm>> -> memref<12800xi32, #tpu.memory_space<hbm>>
    %dma_start3A_530 = arith.constant 0 : i32
    %dma_start3A_531 = tpu.memref_slice %arg6[%dma_start3A_525, %dma_start3A_530] : memref<2x12800xi32, #tpu.memory_space<vmem>> -> memref<1x12800xi32, #tpu.memory_space<vmem>>
    %dma_start3A_532 = tpu.memref_squeeze %dma_start3A_531 : memref<1x12800xi32, #tpu.memory_space<vmem>> -> memref<12800xi32, #tpu.memory_space<vmem>>
    %dma_start3A_533 = tpu.memref_slice %arg2[%add3A_524] : memref<3276800xi32, #tpu.memory_space<hbm>> -> memref<12800xi32, #tpu.memory_space<hbm>>
    tpu.enqueue_dma source(%dma_start3A_533 : memref<12800xi32, #tpu.memory_space<hbm>>) target(%dma_start3A_532 : memref<12800xi32, #tpu.memory_space<vmem>>) target_semaphore(%arg9 : memref<!tpu.dma_semaphore, #tpu.memory_space<semaphore_mem>>)
    %dma_wait3A_534 = arith.constant 0 : i32
    %dma_wait3A_535 = arith.constant 0 : i32
    %dma_wait3A_536 = tpu.memref_slice %arg6[%dma_wait3A_534, %dma_wait3A_535] : memref<2x12800xi32, #tpu.memory_space<vmem>> -> memref<1x12800xi32, #tpu.memory_space<vmem>>
    %dma_wait3A_537 = tpu.memref_squeeze %dma_wait3A_536 : memref<1x12800xi32, #tpu.memory_space<vmem>> -> memref<12800xi32, #tpu.memory_space<vmem>>
    %dma_wait3A_538 = tpu.memref_slice %arg2[%add3A_524] : memref<3276800xi32, #tpu.memory_space<hbm>> -> memref<12800xi32, #tpu.memory_space<hbm>>
    %dma_wait3A_539 = arith.constant 0 : i32
    %dma_wait3A_540 = tpu.memref_slice %arg6[%dma_wait3A_534, %dma_wait3A_539] : memref<2x12800xi32, #tpu.memory_space<vmem>> -> memref<1x12800xi32, #tpu.memory_space<vmem>>
    %dma_wait3A_541 = tpu.memref_squeeze %dma_wait3A_540 : memref<1x12800xi32, #tpu.memory_space<vmem>> -> memref<12800xi32, #tpu.memory_space<vmem>>
    %dma_wait3A_542 = tpu.memref_slice %arg2[%add3A_524] : memref<3276800xi32, #tpu.memory_space<hbm>> -> memref<12800xi32, #tpu.memory_space<hbm>>
    tpu.wait_dma2 semaphore(%arg9 : memref<!tpu.dma_semaphore, #tpu.memory_space<semaphore_mem>>) src(%dma_wait3A_542 : memref<12800xi32, #tpu.memory_space<hbm>>) dst(%dma_wait3A_541 : memref<12800xi32, #tpu.memory_space<vmem>>)
    %dma_wait3A_543 = arith.constant 0 : i32
    %dma_wait3A_544 = arith.constant 0 : i32
    %dma_wait3A_545 = tpu.memref_slice %arg7[%dma_wait3A_543, %dma_wait3A_544] : memref<2x12800xf32, #tpu.memory_space<vmem>> -> memref<1x12800xf32, #tpu.memory_space<vmem>>
    %dma_wait3A_546 = tpu.memref_squeeze %dma_wait3A_545 : memref<1x12800xf32, #tpu.memory_space<vmem>> -> memref<12800xf32, #tpu.memory_space<vmem>>
    %dma_wait3A_547 = tpu.memref_slice %arg5[%add3A_502] : memref<6553600xf32, #tpu.memory_space<hbm>> -> memref<12800xf32, #tpu.memory_space<hbm>>
    %dma_wait3A_548 = tpu.memref_slice %arg5[%add3A_502] : memref<6553600xf32, #tpu.memory_space<hbm>> -> memref<12800xf32, #tpu.memory_space<hbm>>
    %dma_wait3A_549 = arith.constant 0 : i32
    %dma_wait3A_550 = tpu.memref_slice %arg7[%dma_wait3A_543, %dma_wait3A_549] : memref<2x12800xf32, #tpu.memory_space<vmem>> -> memref<1x12800xf32, #tpu.memory_space<vmem>>
    %dma_wait3A_551 = tpu.memref_squeeze %dma_wait3A_550 : memref<1x12800xf32, #tpu.memory_space<vmem>> -> memref<12800xf32, #tpu.memory_space<vmem>>
    tpu.wait_dma2 semaphore(%arg15 : memref<!tpu.dma_semaphore, #tpu.memory_space<semaphore_mem>>) src(%dma_wait3A_551 : memref<12800xf32, #tpu.memory_space<vmem>>) dst(%dma_wait3A_548 : memref<12800xf32, #tpu.memory_space<hbm>>)
    %dma_wait3A_552 = arith.constant 0 : i32
    %dma_wait3A_553 = arith.constant 0 : i32
    %dma_wait3A_554 = tpu.memref_slice %arg8[%dma_wait3A_552, %dma_wait3A_553] : memref<2x12800xf32, #tpu.memory_space<vmem>> -> memref<1x12800xf32, #tpu.memory_space<vmem>>
    %dma_wait3A_555 = tpu.memref_squeeze %dma_wait3A_554 : memref<1x12800xf32, #tpu.memory_space<vmem>> -> memref<12800xf32, #tpu.memory_space<vmem>>
    %dma_wait3A_556 = tpu.memref_slice %arg5[%add3A_513] : memref<6553600xf32, #tpu.memory_space<hbm>> -> memref<12800xf32, #tpu.memory_space<hbm>>
    %dma_wait3A_557 = tpu.memref_slice %arg5[%add3A_513] : memref<6553600xf32, #tpu.memory_space<hbm>> -> memref<12800xf32, #tpu.memory_space<hbm>>
    %dma_wait3A_558 = arith.constant 0 : i32
    %dma_wait3A_559 = tpu.memref_slice %arg8[%dma_wait3A_552, %dma_wait3A_558] : memref<2x12800xf32, #tpu.memory_space<vmem>> -> memref<1x12800xf32, #tpu.memory_space<vmem>>
    %dma_wait3A_560 = tpu.memref_squeeze %dma_wait3A_559 : memref<1x12800xf32, #tpu.memory_space<vmem>> -> memref<12800xf32, #tpu.memory_space<vmem>>
    tpu.wait_dma2 semaphore(%arg17 : memref<!tpu.dma_semaphore, #tpu.memory_space<semaphore_mem>>) src(%dma_wait3A_560 : memref<12800xf32, #tpu.memory_space<vmem>>) dst(%dma_wait3A_557 : memref<12800xf32, #tpu.memory_space<hbm>>)
    %dma_start3A_561 = arith.constant 0 : i32
    %dma_start3A_562 = arith.constant 0 : i32
    %dma_start3A_563 = arith.constant 0 : i32
    %dma_start3A_564 = tpu.memref_slice %arg7[%dma_start3A_562, %dma_start3A_563] : memref<2x12800xf32, #tpu.memory_space<vmem>> -> memref<1x12800xf32, #tpu.memory_space<vmem>>
    %dma_start3A_565 = tpu.memref_squeeze %dma_start3A_564 : memref<1x12800xf32, #tpu.memory_space<vmem>> -> memref<12800xf32, #tpu.memory_space<vmem>>
    %dma_start3A_566 = arith.constant 0 : i32
    %dma_start3A_567 = tpu.memref_slice %arg6[%dma_start3A_561, %dma_start3A_566] : memref<2x12800xi32, #tpu.memory_space<vmem>> -> memref<1x12800xi32, #tpu.memory_space<vmem>>
    %dma_start3A_568 = tpu.memref_squeeze %dma_start3A_567 : memref<1x12800xi32, #tpu.memory_space<vmem>> -> memref<12800xi32, #tpu.memory_space<vmem>>
    %dma_start3A_569 = arith.constant 0 : i32
    %dma_start3A_570 = tpu.memref_slice %arg3[%dma_start3A_569] : memref<1000000xf32, #tpu.memory_space<hbm>> -> memref<1000000xf32, #tpu.memory_space<hbm>>
    tpu.enqueue_indirect_dma source(%dma_start3A_570 : memref<1000000xf32, #tpu.memory_space<hbm>>) target(%dma_start3A_565 : memref<12800xf32, #tpu.memory_space<vmem>>) offsets(%dma_start3A_568 : memref<12800xi32, #tpu.memory_space<vmem>>) semaphore(%arg11 : memref<!tpu.dma_semaphore, #tpu.memory_space<semaphore_mem>>)
    %dma_start3A_571 = arith.constant 0 : i32
    %dma_start3A_572 = arith.constant 0 : i32
    %dma_start3A_573 = arith.constant 0 : i32
    %dma_start3A_574 = tpu.memref_slice %arg8[%dma_start3A_572, %dma_start3A_573] : memref<2x12800xf32, #tpu.memory_space<vmem>> -> memref<1x12800xf32, #tpu.memory_space<vmem>>
    %dma_start3A_575 = tpu.memref_squeeze %dma_start3A_574 : memref<1x12800xf32, #tpu.memory_space<vmem>> -> memref<12800xf32, #tpu.memory_space<vmem>>
    %dma_start3A_576 = arith.constant 0 : i32
    %dma_start3A_577 = tpu.memref_slice %arg6[%dma_start3A_571, %dma_start3A_576] : memref<2x12800xi32, #tpu.memory_space<vmem>> -> memref<1x12800xi32, #tpu.memory_space<vmem>>
    %dma_start3A_578 = tpu.memref_squeeze %dma_start3A_577 : memref<1x12800xi32, #tpu.memory_space<vmem>> -> memref<12800xi32, #tpu.memory_space<vmem>>
    %dma_start3A_579 = arith.constant 0 : i32
    %dma_start3A_580 = tpu.memref_slice %arg4[%dma_start3A_579] : memref<1000000xf32, #tpu.memory_space<hbm>> -> memref<1000000xf32, #tpu.memory_space<hbm>>
    tpu.enqueue_indirect_dma source(%dma_start3A_580 : memref<1000000xf32, #tpu.memory_space<hbm>>) target(%dma_start3A_575 : memref<12800xf32, #tpu.memory_space<vmem>>) offsets(%dma_start3A_578 : memref<12800xi32, #tpu.memory_space<vmem>>) semaphore(%arg13 : memref<!tpu.dma_semaphore, #tpu.memory_space<semaphore_mem>>)
    %dma_wait3A_581 = arith.constant 1 : i32
    %dma_wait3A_582 = arith.constant 1 : i32
    %dma_wait3A_583 = arith.constant 0 : i32
    %dma_wait3A_584 = tpu.memref_slice %arg7[%dma_wait3A_582, %dma_wait3A_583] : memref<2x12800xf32, #tpu.memory_space<vmem>> -> memref<1x12800xf32, #tpu.memory_space<vmem>>
    %dma_wait3A_585 = tpu.memref_squeeze %dma_wait3A_584 : memref<1x12800xf32, #tpu.memory_space<vmem>> -> memref<12800xf32, #tpu.memory_space<vmem>>
    %dma_wait3A_586 = arith.constant 0 : i32
    %dma_wait3A_587 = tpu.memref_slice %arg6[%dma_wait3A_581, %dma_wait3A_586] : memref<2x12800xi32, #tpu.memory_space<vmem>> -> memref<1x12800xi32, #tpu.memory_space<vmem>>
    %dma_wait3A_588 = tpu.memref_squeeze %dma_wait3A_587 : memref<1x12800xi32, #tpu.memory_space<vmem>> -> memref<12800xi32, #tpu.memory_space<vmem>>
    %dma_wait3A_589 = arith.constant 0 : i32
    %dma_wait3A_590 = tpu.memref_slice %arg3[%dma_wait3A_589] : memref<1000000xf32, #tpu.memory_space<hbm>> -> memref<1000000xf32, #tpu.memory_space<hbm>>
    tpu.wait_indirect_dma semaphore(%arg12 : memref<!tpu.dma_semaphore, #tpu.memory_space<semaphore_mem>>) src(%dma_wait3A_590 : memref<1000000xf32, #tpu.memory_space<hbm>>) dst(%dma_wait3A_585 : memref<12800xf32, #tpu.memory_space<vmem>>)
    %dma_wait3A_591 = arith.constant 1 : i32
    %dma_wait3A_592 = arith.constant 1 : i32
    %dma_wait3A_593 = arith.constant 0 : i32
    %dma_wait3A_594 = tpu.memref_slice %arg8[%dma_wait3A_592, %dma_wait3A_593] : memref<2x12800xf32, #tpu.memory_space<vmem>> -> memref<1x12800xf32, #tpu.memory_space<vmem>>
    %dma_wait3A_595 = tpu.memref_squeeze %dma_wait3A_594 : memref<1x12800xf32, #tpu.memory_space<vmem>> -> memref<12800xf32, #tpu.memory_space<vmem>>
    %dma_wait3A_596 = arith.constant 0 : i32
    %dma_wait3A_597 = tpu.memref_slice %arg6[%dma_wait3A_591, %dma_wait3A_596] : memref<2x12800xi32, #tpu.memory_space<vmem>> -> memref<1x12800xi32, #tpu.memory_space<vmem>>
    %dma_wait3A_598 = tpu.memref_squeeze %dma_wait3A_597 : memref<1x12800xi32, #tpu.memory_space<vmem>> -> memref<12800xi32, #tpu.memory_space<vmem>>
    %dma_wait3A_599 = arith.constant 0 : i32
    %dma_wait3A_600 = tpu.memref_slice %arg4[%dma_wait3A_599] : memref<1000000xf32, #tpu.memory_space<hbm>> -> memref<1000000xf32, #tpu.memory_space<hbm>>
    tpu.wait_indirect_dma semaphore(%arg14 : memref<!tpu.dma_semaphore, #tpu.memory_space<semaphore_mem>>) src(%dma_wait3A_600 : memref<1000000xf32, #tpu.memory_space<hbm>>) dst(%dma_wait3A_595 : memref<12800xf32, #tpu.memory_space<vmem>>)
    %add3A_601 = arith.constant 64000 : i32
    %add3A_602 = arith.addi %mul3A_2, %add3A_601 : i32
    %dma_start3A_603 = arith.constant 1 : i32
    %dma_start3A_604 = arith.constant 0 : i32
    %dma_start3A_605 = tpu.memref_slice %arg7[%dma_start3A_603, %dma_start3A_604] : memref<2x12800xf32, #tpu.memory_space<vmem>> -> memref<1x12800xf32, #tpu.memory_space<vmem>>
    %dma_start3A_606 = tpu.memref_squeeze %dma_start3A_605 : memref<1x12800xf32, #tpu.memory_space<vmem>> -> memref<12800xf32, #tpu.memory_space<vmem>>
    %dma_start3A_607 = tpu.memref_slice %arg5[%add3A_602] : memref<6553600xf32, #tpu.memory_space<hbm>> -> memref<12800xf32, #tpu.memory_space<hbm>>
    %dma_start3A_608 = tpu.memref_slice %arg5[%add3A_602] : memref<6553600xf32, #tpu.memory_space<hbm>> -> memref<12800xf32, #tpu.memory_space<hbm>>
    %dma_start3A_609 = arith.constant 0 : i32
    %dma_start3A_610 = tpu.memref_slice %arg7[%dma_start3A_603, %dma_start3A_609] : memref<2x12800xf32, #tpu.memory_space<vmem>> -> memref<1x12800xf32, #tpu.memory_space<vmem>>
    %dma_start3A_611 = tpu.memref_squeeze %dma_start3A_610 : memref<1x12800xf32, #tpu.memory_space<vmem>> -> memref<12800xf32, #tpu.memory_space<vmem>>
    tpu.enqueue_dma source(%dma_start3A_611 : memref<12800xf32, #tpu.memory_space<vmem>>) target(%dma_start3A_608 : memref<12800xf32, #tpu.memory_space<hbm>>) target_semaphore(%arg16 : memref<!tpu.dma_semaphore, #tpu.memory_space<semaphore_mem>>)
    %add3A_612 = arith.constant 3276800 : i32
    %add3A_613 = arith.addi %add3A_612, %add3A_602 : i32
    %dma_start3A_614 = arith.constant 1 : i32
    %dma_start3A_615 = arith.constant 0 : i32
    %dma_start3A_616 = tpu.memref_slice %arg8[%dma_start3A_614, %dma_start3A_615] : memref<2x12800xf32, #tpu.memory_space<vmem>> -> memref<1x12800xf32, #tpu.memory_space<vmem>>
    %dma_start3A_617 = tpu.memref_squeeze %dma_start3A_616 : memref<1x12800xf32, #tpu.memory_space<vmem>> -> memref<12800xf32, #tpu.memory_space<vmem>>
    %dma_start3A_618 = tpu.memref_slice %arg5[%add3A_613] : memref<6553600xf32, #tpu.memory_space<hbm>> -> memref<12800xf32, #tpu.memory_space<hbm>>
    %dma_start3A_619 = tpu.memref_slice %arg5[%add3A_613] : memref<6553600xf32, #tpu.memory_space<hbm>> -> memref<12800xf32, #tpu.memory_space<hbm>>
    %dma_start3A_620 = arith.constant 0 : i32
    %dma_start3A_621 = tpu.memref_slice %arg8[%dma_start3A_614, %dma_start3A_620] : memref<2x12800xf32, #tpu.memory_space<vmem>> -> memref<1x12800xf32, #tpu.memory_space<vmem>>
    %dma_start3A_622 = tpu.memref_squeeze %dma_start3A_621 : memref<1x12800xf32, #tpu.memory_space<vmem>> -> memref<12800xf32, #tpu.memory_space<vmem>>
    tpu.enqueue_dma source(%dma_start3A_622 : memref<12800xf32, #tpu.memory_space<vmem>>) target(%dma_start3A_619 : memref<12800xf32, #tpu.memory_space<hbm>>) target_semaphore(%arg18 : memref<!tpu.dma_semaphore, #tpu.memory_space<semaphore_mem>>)
    %add3A_623 = arith.constant 89600 : i32
    %add3A_624 = arith.addi %mul3A_2, %add3A_623 : i32
    %dma_start3A_625 = arith.constant 1 : i32
    %dma_start3A_626 = arith.constant 0 : i32
    %dma_start3A_627 = tpu.memref_slice %arg6[%dma_start3A_625, %dma_start3A_626] : memref<2x12800xi32, #tpu.memory_space<vmem>> -> memref<1x12800xi32, #tpu.memory_space<vmem>>
    %dma_start3A_628 = tpu.memref_squeeze %dma_start3A_627 : memref<1x12800xi32, #tpu.memory_space<vmem>> -> memref<12800xi32, #tpu.memory_space<vmem>>
    %dma_start3A_629 = tpu.memref_slice %arg2[%add3A_624] : memref<3276800xi32, #tpu.memory_space<hbm>> -> memref<12800xi32, #tpu.memory_space<hbm>>
    %dma_start3A_630 = arith.constant 0 : i32
    %dma_start3A_631 = tpu.memref_slice %arg6[%dma_start3A_625, %dma_start3A_630] : memref<2x12800xi32, #tpu.memory_space<vmem>> -> memref<1x12800xi32, #tpu.memory_space<vmem>>
    %dma_start3A_632 = tpu.memref_squeeze %dma_start3A_631 : memref<1x12800xi32, #tpu.memory_space<vmem>> -> memref<12800xi32, #tpu.memory_space<vmem>>
    %dma_start3A_633 = tpu.memref_slice %arg2[%add3A_624] : memref<3276800xi32, #tpu.memory_space<hbm>> -> memref<12800xi32, #tpu.memory_space<hbm>>
    tpu.enqueue_dma source(%dma_start3A_633 : memref<12800xi32, #tpu.memory_space<hbm>>) target(%dma_start3A_632 : memref<12800xi32, #tpu.memory_space<vmem>>) target_semaphore(%arg10 : memref<!tpu.dma_semaphore, #tpu.memory_space<semaphore_mem>>)
    %dma_wait3A_634 = arith.constant 1 : i32
    %dma_wait3A_635 = arith.constant 0 : i32
    %dma_wait3A_636 = tpu.memref_slice %arg6[%dma_wait3A_634, %dma_wait3A_635] : memref<2x12800xi32, #tpu.memory_space<vmem>> -> memref<1x12800xi32, #tpu.memory_space<vmem>>
    %dma_wait3A_637 = tpu.memref_squeeze %dma_wait3A_636 : memref<1x12800xi32, #tpu.memory_space<vmem>> -> memref<12800xi32, #tpu.memory_space<vmem>>
    %dma_wait3A_638 = tpu.memref_slice %arg2[%add3A_624] : memref<3276800xi32, #tpu.memory_space<hbm>> -> memref<12800xi32, #tpu.memory_space<hbm>>
    %dma_wait3A_639 = arith.constant 0 : i32
    %dma_wait3A_640 = tpu.memref_slice %arg6[%dma_wait3A_634, %dma_wait3A_639] : memref<2x12800xi32, #tpu.memory_space<vmem>> -> memref<1x12800xi32, #tpu.memory_space<vmem>>
    %dma_wait3A_641 = tpu.memref_squeeze %dma_wait3A_640 : memref<1x12800xi32, #tpu.memory_space<vmem>> -> memref<12800xi32, #tpu.memory_space<vmem>>
    %dma_wait3A_642 = tpu.memref_slice %arg2[%add3A_624] : memref<3276800xi32, #tpu.memory_space<hbm>> -> memref<12800xi32, #tpu.memory_space<hbm>>
    tpu.wait_dma2 semaphore(%arg10 : memref<!tpu.dma_semaphore, #tpu.memory_space<semaphore_mem>>) src(%dma_wait3A_642 : memref<12800xi32, #tpu.memory_space<hbm>>) dst(%dma_wait3A_641 : memref<12800xi32, #tpu.memory_space<vmem>>)
    %dma_wait3A_643 = arith.constant 1 : i32
    %dma_wait3A_644 = arith.constant 0 : i32
    %dma_wait3A_645 = tpu.memref_slice %arg7[%dma_wait3A_643, %dma_wait3A_644] : memref<2x12800xf32, #tpu.memory_space<vmem>> -> memref<1x12800xf32, #tpu.memory_space<vmem>>
    %dma_wait3A_646 = tpu.memref_squeeze %dma_wait3A_645 : memref<1x12800xf32, #tpu.memory_space<vmem>> -> memref<12800xf32, #tpu.memory_space<vmem>>
    %dma_wait3A_647 = tpu.memref_slice %arg5[%add3A_602] : memref<6553600xf32, #tpu.memory_space<hbm>> -> memref<12800xf32, #tpu.memory_space<hbm>>
    %dma_wait3A_648 = tpu.memref_slice %arg5[%add3A_602] : memref<6553600xf32, #tpu.memory_space<hbm>> -> memref<12800xf32, #tpu.memory_space<hbm>>
    %dma_wait3A_649 = arith.constant 0 : i32
    %dma_wait3A_650 = tpu.memref_slice %arg7[%dma_wait3A_643, %dma_wait3A_649] : memref<2x12800xf32, #tpu.memory_space<vmem>> -> memref<1x12800xf32, #tpu.memory_space<vmem>>
    %dma_wait3A_651 = tpu.memref_squeeze %dma_wait3A_650 : memref<1x12800xf32, #tpu.memory_space<vmem>> -> memref<12800xf32, #tpu.memory_space<vmem>>
    tpu.wait_dma2 semaphore(%arg16 : memref<!tpu.dma_semaphore, #tpu.memory_space<semaphore_mem>>) src(%dma_wait3A_651 : memref<12800xf32, #tpu.memory_space<vmem>>) dst(%dma_wait3A_648 : memref<12800xf32, #tpu.memory_space<hbm>>)
    %dma_wait3A_652 = arith.constant 1 : i32
    %dma_wait3A_653 = arith.constant 0 : i32
    %dma_wait3A_654 = tpu.memref_slice %arg8[%dma_wait3A_652, %dma_wait3A_653] : memref<2x12800xf32, #tpu.memory_space<vmem>> -> memref<1x12800xf32, #tpu.memory_space<vmem>>
    %dma_wait3A_655 = tpu.memref_squeeze %dma_wait3A_654 : memref<1x12800xf32, #tpu.memory_space<vmem>> -> memref<12800xf32, #tpu.memory_space<vmem>>
    %dma_wait3A_656 = tpu.memref_slice %arg5[%add3A_613] : memref<6553600xf32, #tpu.memory_space<hbm>> -> memref<12800xf32, #tpu.memory_space<hbm>>
    %dma_wait3A_657 = tpu.memref_slice %arg5[%add3A_613] : memref<6553600xf32, #tpu.memory_space<hbm>> -> memref<12800xf32, #tpu.memory_space<hbm>>
    %dma_wait3A_658 = arith.constant 0 : i32
    %dma_wait3A_659 = tpu.memref_slice %arg8[%dma_wait3A_652, %dma_wait3A_658] : memref<2x12800xf32, #tpu.memory_space<vmem>> -> memref<1x12800xf32, #tpu.memory_space<vmem>>
    %dma_wait3A_660 = tpu.memref_squeeze %dma_wait3A_659 : memref<1x12800xf32, #tpu.memory_space<vmem>> -> memref<12800xf32, #tpu.memory_space<vmem>>
    tpu.wait_dma2 semaphore(%arg18 : memref<!tpu.dma_semaphore, #tpu.memory_space<semaphore_mem>>) src(%dma_wait3A_660 : memref<12800xf32, #tpu.memory_space<vmem>>) dst(%dma_wait3A_657 : memref<12800xf32, #tpu.memory_space<hbm>>)
    %dma_start3A_661 = arith.constant 1 : i32
    %dma_start3A_662 = arith.constant 1 : i32
    %dma_start3A_663 = arith.constant 0 : i32
    %dma_start3A_664 = tpu.memref_slice %arg7[%dma_start3A_662, %dma_start3A_663] : memref<2x12800xf32, #tpu.memory_space<vmem>> -> memref<1x12800xf32, #tpu.memory_space<vmem>>
    %dma_start3A_665 = tpu.memref_squeeze %dma_start3A_664 : memref<1x12800xf32, #tpu.memory_space<vmem>> -> memref<12800xf32, #tpu.memory_space<vmem>>
    %dma_start3A_666 = arith.constant 0 : i32
    %dma_start3A_667 = tpu.memref_slice %arg6[%dma_start3A_661, %dma_start3A_666] : memref<2x12800xi32, #tpu.memory_space<vmem>> -> memref<1x12800xi32, #tpu.memory_space<vmem>>
    %dma_start3A_668 = tpu.memref_squeeze %dma_start3A_667 : memref<1x12800xi32, #tpu.memory_space<vmem>> -> memref<12800xi32, #tpu.memory_space<vmem>>
    %dma_start3A_669 = arith.constant 0 : i32
    %dma_start3A_670 = tpu.memref_slice %arg3[%dma_start3A_669] : memref<1000000xf32, #tpu.memory_space<hbm>> -> memref<1000000xf32, #tpu.memory_space<hbm>>
    tpu.enqueue_indirect_dma source(%dma_start3A_670 : memref<1000000xf32, #tpu.memory_space<hbm>>) target(%dma_start3A_665 : memref<12800xf32, #tpu.memory_space<vmem>>) offsets(%dma_start3A_668 : memref<12800xi32, #tpu.memory_space<vmem>>) semaphore(%arg12 : memref<!tpu.dma_semaphore, #tpu.memory_space<semaphore_mem>>)
    %dma_start3A_671 = arith.constant 1 : i32
    %dma_start3A_672 = arith.constant 1 : i32
    %dma_start3A_673 = arith.constant 0 : i32
    %dma_start3A_674 = tpu.memref_slice %arg8[%dma_start3A_672, %dma_start3A_673] : memref<2x12800xf32, #tpu.memory_space<vmem>> -> memref<1x12800xf32, #tpu.memory_space<vmem>>
    %dma_start3A_675 = tpu.memref_squeeze %dma_start3A_674 : memref<1x12800xf32, #tpu.memory_space<vmem>> -> memref<12800xf32, #tpu.memory_space<vmem>>
    %dma_start3A_676 = arith.constant 0 : i32
    %dma_start3A_677 = tpu.memref_slice %arg6[%dma_start3A_671, %dma_start3A_676] : memref<2x12800xi32, #tpu.memory_space<vmem>> -> memref<1x12800xi32, #tpu.memory_space<vmem>>
    %dma_start3A_678 = tpu.memref_squeeze %dma_start3A_677 : memref<1x12800xi32, #tpu.memory_space<vmem>> -> memref<12800xi32, #tpu.memory_space<vmem>>
    %dma_start3A_679 = arith.constant 0 : i32
    %dma_start3A_680 = tpu.memref_slice %arg4[%dma_start3A_679] : memref<1000000xf32, #tpu.memory_space<hbm>> -> memref<1000000xf32, #tpu.memory_space<hbm>>
    tpu.enqueue_indirect_dma source(%dma_start3A_680 : memref<1000000xf32, #tpu.memory_space<hbm>>) target(%dma_start3A_675 : memref<12800xf32, #tpu.memory_space<vmem>>) offsets(%dma_start3A_678 : memref<12800xi32, #tpu.memory_space<vmem>>) semaphore(%arg14 : memref<!tpu.dma_semaphore, #tpu.memory_space<semaphore_mem>>)
    %dma_wait3A_681 = arith.constant 0 : i32
    %dma_wait3A_682 = arith.constant 0 : i32
    %dma_wait3A_683 = arith.constant 0 : i32
    %dma_wait3A_684 = tpu.memref_slice %arg7[%dma_wait3A_682, %dma_wait3A_683] : memref<2x12800xf32, #tpu.memory_space<vmem>> -> memref<1x12800xf32, #tpu.memory_space<vmem>>
    %dma_wait3A_685 = tpu.memref_squeeze %dma_wait3A_684 : memref<1x12800xf32, #tpu.memory_space<vmem>> -> memref<12800xf32, #tpu.memory_space<vmem>>
    %dma_wait3A_686 = arith.constant 0 : i32
    %dma_wait3A_687 = tpu.memref_slice %arg6[%dma_wait3A_681, %dma_wait3A_686] : memref<2x12800xi32, #tpu.memory_space<vmem>> -> memref<1x12800xi32, #tpu.memory_space<vmem>>
    %dma_wait3A_688 = tpu.memref_squeeze %dma_wait3A_687 : memref<1x12800xi32, #tpu.memory_space<vmem>> -> memref<12800xi32, #tpu.memory_space<vmem>>
    %dma_wait3A_689 = arith.constant 0 : i32
    %dma_wait3A_690 = tpu.memref_slice %arg3[%dma_wait3A_689] : memref<1000000xf32, #tpu.memory_space<hbm>> -> memref<1000000xf32, #tpu.memory_space<hbm>>
    tpu.wait_indirect_dma semaphore(%arg11 : memref<!tpu.dma_semaphore, #tpu.memory_space<semaphore_mem>>) src(%dma_wait3A_690 : memref<1000000xf32, #tpu.memory_space<hbm>>) dst(%dma_wait3A_685 : memref<12800xf32, #tpu.memory_space<vmem>>)
    %dma_wait3A_691 = arith.constant 0 : i32
    %dma_wait3A_692 = arith.constant 0 : i32
    %dma_wait3A_693 = arith.constant 0 : i32
    %dma_wait3A_694 = tpu.memref_slice %arg8[%dma_wait3A_692, %dma_wait3A_693] : memref<2x12800xf32, #tpu.memory_space<vmem>> -> memref<1x12800xf32, #tpu.memory_space<vmem>>
    %dma_wait3A_695 = tpu.memref_squeeze %dma_wait3A_694 : memref<1x12800xf32, #tpu.memory_space<vmem>> -> memref<12800xf32, #tpu.memory_space<vmem>>
    %dma_wait3A_696 = arith.constant 0 : i32
    %dma_wait3A_697 = tpu.memref_slice %arg6[%dma_wait3A_691, %dma_wait3A_696] : memref<2x12800xi32, #tpu.memory_space<vmem>> -> memref<1x12800xi32, #tpu.memory_space<vmem>>
    %dma_wait3A_698 = tpu.memref_squeeze %dma_wait3A_697 : memref<1x12800xi32, #tpu.memory_space<vmem>> -> memref<12800xi32, #tpu.memory_space<vmem>>
    %dma_wait3A_699 = arith.constant 0 : i32
    %dma_wait3A_700 = tpu.memref_slice %arg4[%dma_wait3A_699] : memref<1000000xf32, #tpu.memory_space<hbm>> -> memref<1000000xf32, #tpu.memory_space<hbm>>
    tpu.wait_indirect_dma semaphore(%arg13 : memref<!tpu.dma_semaphore, #tpu.memory_space<semaphore_mem>>) src(%dma_wait3A_700 : memref<1000000xf32, #tpu.memory_space<hbm>>) dst(%dma_wait3A_695 : memref<12800xf32, #tpu.memory_space<vmem>>)
    %add3A_701 = arith.constant 76800 : i32
    %add3A_702 = arith.addi %mul3A_2, %add3A_701 : i32
    %dma_start3A_703 = arith.constant 0 : i32
    %dma_start3A_704 = arith.constant 0 : i32
    %dma_start3A_705 = tpu.memref_slice %arg7[%dma_start3A_703, %dma_start3A_704] : memref<2x12800xf32, #tpu.memory_space<vmem>> -> memref<1x12800xf32, #tpu.memory_space<vmem>>
    %dma_start3A_706 = tpu.memref_squeeze %dma_start3A_705 : memref<1x12800xf32, #tpu.memory_space<vmem>> -> memref<12800xf32, #tpu.memory_space<vmem>>
    %dma_start3A_707 = tpu.memref_slice %arg5[%add3A_702] : memref<6553600xf32, #tpu.memory_space<hbm>> -> memref<12800xf32, #tpu.memory_space<hbm>>
    %dma_start3A_708 = tpu.memref_slice %arg5[%add3A_702] : memref<6553600xf32, #tpu.memory_space<hbm>> -> memref<12800xf32, #tpu.memory_space<hbm>>
    %dma_start3A_709 = arith.constant 0 : i32
    %dma_start3A_710 = tpu.memref_slice %arg7[%dma_start3A_703, %dma_start3A_709] : memref<2x12800xf32, #tpu.memory_space<vmem>> -> memref<1x12800xf32, #tpu.memory_space<vmem>>
    %dma_start3A_711 = tpu.memref_squeeze %dma_start3A_710 : memref<1x12800xf32, #tpu.memory_space<vmem>> -> memref<12800xf32, #tpu.memory_space<vmem>>
    tpu.enqueue_dma source(%dma_start3A_711 : memref<12800xf32, #tpu.memory_space<vmem>>) target(%dma_start3A_708 : memref<12800xf32, #tpu.memory_space<hbm>>) target_semaphore(%arg15 : memref<!tpu.dma_semaphore, #tpu.memory_space<semaphore_mem>>)
    %add3A_712 = arith.constant 3276800 : i32
    %add3A_713 = arith.addi %add3A_712, %add3A_702 : i32
    %dma_start3A_714 = arith.constant 0 : i32
    %dma_start3A_715 = arith.constant 0 : i32
    %dma_start3A_716 = tpu.memref_slice %arg8[%dma_start3A_714, %dma_start3A_715] : memref<2x12800xf32, #tpu.memory_space<vmem>> -> memref<1x12800xf32, #tpu.memory_space<vmem>>
    %dma_start3A_717 = tpu.memref_squeeze %dma_start3A_716 : memref<1x12800xf32, #tpu.memory_space<vmem>> -> memref<12800xf32, #tpu.memory_space<vmem>>
    %dma_start3A_718 = tpu.memref_slice %arg5[%add3A_713] : memref<6553600xf32, #tpu.memory_space<hbm>> -> memref<12800xf32, #tpu.memory_space<hbm>>
    %dma_start3A_719 = tpu.memref_slice %arg5[%add3A_713] : memref<6553600xf32, #tpu.memory_space<hbm>> -> memref<12800xf32, #tpu.memory_space<hbm>>
    %dma_start3A_720 = arith.constant 0 : i32
    %dma_start3A_721 = tpu.memref_slice %arg8[%dma_start3A_714, %dma_start3A_720] : memref<2x12800xf32, #tpu.memory_space<vmem>> -> memref<1x12800xf32, #tpu.memory_space<vmem>>
    %dma_start3A_722 = tpu.memref_squeeze %dma_start3A_721 : memref<1x12800xf32, #tpu.memory_space<vmem>> -> memref<12800xf32, #tpu.memory_space<vmem>>
    tpu.enqueue_dma source(%dma_start3A_722 : memref<12800xf32, #tpu.memory_space<vmem>>) target(%dma_start3A_719 : memref<12800xf32, #tpu.memory_space<hbm>>) target_semaphore(%arg17 : memref<!tpu.dma_semaphore, #tpu.memory_space<semaphore_mem>>)
    %dma_wait3A_723 = arith.constant 1 : i32
    %dma_wait3A_724 = arith.constant 1 : i32
    %dma_wait3A_725 = arith.constant 0 : i32
    %dma_wait3A_726 = tpu.memref_slice %arg7[%dma_wait3A_724, %dma_wait3A_725] : memref<2x12800xf32, #tpu.memory_space<vmem>> -> memref<1x12800xf32, #tpu.memory_space<vmem>>
    %dma_wait3A_727 = tpu.memref_squeeze %dma_wait3A_726 : memref<1x12800xf32, #tpu.memory_space<vmem>> -> memref<12800xf32, #tpu.memory_space<vmem>>
    %dma_wait3A_728 = arith.constant 0 : i32
    %dma_wait3A_729 = tpu.memref_slice %arg6[%dma_wait3A_723, %dma_wait3A_728] : memref<2x12800xi32, #tpu.memory_space<vmem>> -> memref<1x12800xi32, #tpu.memory_space<vmem>>
    %dma_wait3A_730 = tpu.memref_squeeze %dma_wait3A_729 : memref<1x12800xi32, #tpu.memory_space<vmem>> -> memref<12800xi32, #tpu.memory_space<vmem>>
    %dma_wait3A_731 = arith.constant 0 : i32
    %dma_wait3A_732 = tpu.memref_slice %arg3[%dma_wait3A_731] : memref<1000000xf32, #tpu.memory_space<hbm>> -> memref<1000000xf32, #tpu.memory_space<hbm>>
    tpu.wait_indirect_dma semaphore(%arg12 : memref<!tpu.dma_semaphore, #tpu.memory_space<semaphore_mem>>) src(%dma_wait3A_732 : memref<1000000xf32, #tpu.memory_space<hbm>>) dst(%dma_wait3A_727 : memref<12800xf32, #tpu.memory_space<vmem>>)
    %dma_wait3A_733 = arith.constant 1 : i32
    %dma_wait3A_734 = arith.constant 1 : i32
    %dma_wait3A_735 = arith.constant 0 : i32
    %dma_wait3A_736 = tpu.memref_slice %arg8[%dma_wait3A_734, %dma_wait3A_735] : memref<2x12800xf32, #tpu.memory_space<vmem>> -> memref<1x12800xf32, #tpu.memory_space<vmem>>
    %dma_wait3A_737 = tpu.memref_squeeze %dma_wait3A_736 : memref<1x12800xf32, #tpu.memory_space<vmem>> -> memref<12800xf32, #tpu.memory_space<vmem>>
    %dma_wait3A_738 = arith.constant 0 : i32
    %dma_wait3A_739 = tpu.memref_slice %arg6[%dma_wait3A_733, %dma_wait3A_738] : memref<2x12800xi32, #tpu.memory_space<vmem>> -> memref<1x12800xi32, #tpu.memory_space<vmem>>
    %dma_wait3A_740 = tpu.memref_squeeze %dma_wait3A_739 : memref<1x12800xi32, #tpu.memory_space<vmem>> -> memref<12800xi32, #tpu.memory_space<vmem>>
    %dma_wait3A_741 = arith.constant 0 : i32
    %dma_wait3A_742 = tpu.memref_slice %arg4[%dma_wait3A_741] : memref<1000000xf32, #tpu.memory_space<hbm>> -> memref<1000000xf32, #tpu.memory_space<hbm>>
    tpu.wait_indirect_dma semaphore(%arg14 : memref<!tpu.dma_semaphore, #tpu.memory_space<semaphore_mem>>) src(%dma_wait3A_742 : memref<1000000xf32, #tpu.memory_space<hbm>>) dst(%dma_wait3A_737 : memref<12800xf32, #tpu.memory_space<vmem>>)
    %add3A_743 = arith.constant 89600 : i32
    %add3A_744 = arith.addi %mul3A_2, %add3A_743 : i32
    %dma_start3A_745 = arith.constant 1 : i32
    %dma_start3A_746 = arith.constant 0 : i32
    %dma_start3A_747 = tpu.memref_slice %arg7[%dma_start3A_745, %dma_start3A_746] : memref<2x12800xf32, #tpu.memory_space<vmem>> -> memref<1x12800xf32, #tpu.memory_space<vmem>>
    %dma_start3A_748 = tpu.memref_squeeze %dma_start3A_747 : memref<1x12800xf32, #tpu.memory_space<vmem>> -> memref<12800xf32, #tpu.memory_space<vmem>>
    %dma_start3A_749 = tpu.memref_slice %arg5[%add3A_744] : memref<6553600xf32, #tpu.memory_space<hbm>> -> memref<12800xf32, #tpu.memory_space<hbm>>
    %dma_start3A_750 = tpu.memref_slice %arg5[%add3A_744] : memref<6553600xf32, #tpu.memory_space<hbm>> -> memref<12800xf32, #tpu.memory_space<hbm>>
    %dma_start3A_751 = arith.constant 0 : i32
    %dma_start3A_752 = tpu.memref_slice %arg7[%dma_start3A_745, %dma_start3A_751] : memref<2x12800xf32, #tpu.memory_space<vmem>> -> memref<1x12800xf32, #tpu.memory_space<vmem>>
    %dma_start3A_753 = tpu.memref_squeeze %dma_start3A_752 : memref<1x12800xf32, #tpu.memory_space<vmem>> -> memref<12800xf32, #tpu.memory_space<vmem>>
    tpu.enqueue_dma source(%dma_start3A_753 : memref<12800xf32, #tpu.memory_space<vmem>>) target(%dma_start3A_750 : memref<12800xf32, #tpu.memory_space<hbm>>) target_semaphore(%arg16 : memref<!tpu.dma_semaphore, #tpu.memory_space<semaphore_mem>>)
    %add3A_754 = arith.constant 3276800 : i32
    %add3A_755 = arith.addi %add3A_754, %add3A_744 : i32
    %dma_start3A_756 = arith.constant 1 : i32
    %dma_start3A_757 = arith.constant 0 : i32
    %dma_start3A_758 = tpu.memref_slice %arg8[%dma_start3A_756, %dma_start3A_757] : memref<2x12800xf32, #tpu.memory_space<vmem>> -> memref<1x12800xf32, #tpu.memory_space<vmem>>
    %dma_start3A_759 = tpu.memref_squeeze %dma_start3A_758 : memref<1x12800xf32, #tpu.memory_space<vmem>> -> memref<12800xf32, #tpu.memory_space<vmem>>
    %dma_start3A_760 = tpu.memref_slice %arg5[%add3A_755] : memref<6553600xf32, #tpu.memory_space<hbm>> -> memref<12800xf32, #tpu.memory_space<hbm>>
    %dma_start3A_761 = tpu.memref_slice %arg5[%add3A_755] : memref<6553600xf32, #tpu.memory_space<hbm>> -> memref<12800xf32, #tpu.memory_space<hbm>>
    %dma_start3A_762 = arith.constant 0 : i32
    %dma_start3A_763 = tpu.memref_slice %arg8[%dma_start3A_756, %dma_start3A_762] : memref<2x12800xf32, #tpu.memory_space<vmem>> -> memref<1x12800xf32, #tpu.memory_space<vmem>>
    %dma_start3A_764 = tpu.memref_squeeze %dma_start3A_763 : memref<1x12800xf32, #tpu.memory_space<vmem>> -> memref<12800xf32, #tpu.memory_space<vmem>>
    tpu.enqueue_dma source(%dma_start3A_764 : memref<12800xf32, #tpu.memory_space<vmem>>) target(%dma_start3A_761 : memref<12800xf32, #tpu.memory_space<hbm>>) target_semaphore(%arg18 : memref<!tpu.dma_semaphore, #tpu.memory_space<semaphore_mem>>)
    %dma_wait3A_765 = arith.constant 0 : i32
    %dma_wait3A_766 = arith.constant 0 : i32
    %dma_wait3A_767 = tpu.memref_slice %arg7[%dma_wait3A_765, %dma_wait3A_766] : memref<2x12800xf32, #tpu.memory_space<vmem>> -> memref<1x12800xf32, #tpu.memory_space<vmem>>
    %dma_wait3A_768 = tpu.memref_squeeze %dma_wait3A_767 : memref<1x12800xf32, #tpu.memory_space<vmem>> -> memref<12800xf32, #tpu.memory_space<vmem>>
    %dma_wait3A_769 = tpu.memref_slice %arg5[%add3A_702] : memref<6553600xf32, #tpu.memory_space<hbm>> -> memref<12800xf32, #tpu.memory_space<hbm>>
    %dma_wait3A_770 = tpu.memref_slice %arg5[%add3A_702] : memref<6553600xf32, #tpu.memory_space<hbm>> -> memref<12800xf32, #tpu.memory_space<hbm>>
    %dma_wait3A_771 = arith.constant 0 : i32
    %dma_wait3A_772 = tpu.memref_slice %arg7[%dma_wait3A_765, %dma_wait3A_771] : memref<2x12800xf32, #tpu.memory_space<vmem>> -> memref<1x12800xf32, #tpu.memory_space<vmem>>
    %dma_wait3A_773 = tpu.memref_squeeze %dma_wait3A_772 : memref<1x12800xf32, #tpu.memory_space<vmem>> -> memref<12800xf32, #tpu.memory_space<vmem>>
    tpu.wait_dma2 semaphore(%arg15 : memref<!tpu.dma_semaphore, #tpu.memory_space<semaphore_mem>>) src(%dma_wait3A_773 : memref<12800xf32, #tpu.memory_space<vmem>>) dst(%dma_wait3A_770 : memref<12800xf32, #tpu.memory_space<hbm>>)
    %dma_wait3A_774 = arith.constant 0 : i32
    %dma_wait3A_775 = arith.constant 0 : i32
    %dma_wait3A_776 = tpu.memref_slice %arg8[%dma_wait3A_774, %dma_wait3A_775] : memref<2x12800xf32, #tpu.memory_space<vmem>> -> memref<1x12800xf32, #tpu.memory_space<vmem>>
    %dma_wait3A_777 = tpu.memref_squeeze %dma_wait3A_776 : memref<1x12800xf32, #tpu.memory_space<vmem>> -> memref<12800xf32, #tpu.memory_space<vmem>>
    %dma_wait3A_778 = tpu.memref_slice %arg5[%add3A_713] : memref<6553600xf32, #tpu.memory_space<hbm>> -> memref<12800xf32, #tpu.memory_space<hbm>>
    %dma_wait3A_779 = tpu.memref_slice %arg5[%add3A_713] : memref<6553600xf32, #tpu.memory_space<hbm>> -> memref<12800xf32, #tpu.memory_space<hbm>>
    %dma_wait3A_780 = arith.constant 0 : i32
    %dma_wait3A_781 = tpu.memref_slice %arg8[%dma_wait3A_774, %dma_wait3A_780] : memref<2x12800xf32, #tpu.memory_space<vmem>> -> memref<1x12800xf32, #tpu.memory_space<vmem>>
    %dma_wait3A_782 = tpu.memref_squeeze %dma_wait3A_781 : memref<1x12800xf32, #tpu.memory_space<vmem>> -> memref<12800xf32, #tpu.memory_space<vmem>>
    tpu.wait_dma2 semaphore(%arg17 : memref<!tpu.dma_semaphore, #tpu.memory_space<semaphore_mem>>) src(%dma_wait3A_782 : memref<12800xf32, #tpu.memory_space<vmem>>) dst(%dma_wait3A_779 : memref<12800xf32, #tpu.memory_space<hbm>>)
    %dma_wait3A_783 = arith.constant 1 : i32
    %dma_wait3A_784 = arith.constant 0 : i32
    %dma_wait3A_785 = tpu.memref_slice %arg7[%dma_wait3A_783, %dma_wait3A_784] : memref<2x12800xf32, #tpu.memory_space<vmem>> -> memref<1x12800xf32, #tpu.memory_space<vmem>>
    %dma_wait3A_786 = tpu.memref_squeeze %dma_wait3A_785 : memref<1x12800xf32, #tpu.memory_space<vmem>> -> memref<12800xf32, #tpu.memory_space<vmem>>
    %dma_wait3A_787 = tpu.memref_slice %arg5[%add3A_744] : memref<6553600xf32, #tpu.memory_space<hbm>> -> memref<12800xf32, #tpu.memory_space<hbm>>
    %dma_wait3A_788 = tpu.memref_slice %arg5[%add3A_744] : memref<6553600xf32, #tpu.memory_space<hbm>> -> memref<12800xf32, #tpu.memory_space<hbm>>
    %dma_wait3A_789 = arith.constant 0 : i32
    %dma_wait3A_790 = tpu.memref_slice %arg7[%dma_wait3A_783, %dma_wait3A_789] : memref<2x12800xf32, #tpu.memory_space<vmem>> -> memref<1x12800xf32, #tpu.memory_space<vmem>>
    %dma_wait3A_791 = tpu.memref_squeeze %dma_wait3A_790 : memref<1x12800xf32, #tpu.memory_space<vmem>> -> memref<12800xf32, #tpu.memory_space<vmem>>
    tpu.wait_dma2 semaphore(%arg16 : memref<!tpu.dma_semaphore, #tpu.memory_space<semaphore_mem>>) src(%dma_wait3A_791 : memref<12800xf32, #tpu.memory_space<vmem>>) dst(%dma_wait3A_788 : memref<12800xf32, #tpu.memory_space<hbm>>)
    %dma_wait3A_792 = arith.constant 1 : i32
    %dma_wait3A_793 = arith.constant 0 : i32
    %dma_wait3A_794 = tpu.memref_slice %arg8[%dma_wait3A_792, %dma_wait3A_793] : memref<2x12800xf32, #tpu.memory_space<vmem>> -> memref<1x12800xf32, #tpu.memory_space<vmem>>
    %dma_wait3A_795 = tpu.memref_squeeze %dma_wait3A_794 : memref<1x12800xf32, #tpu.memory_space<vmem>> -> memref<12800xf32, #tpu.memory_space<vmem>>
    %dma_wait3A_796 = tpu.memref_slice %arg5[%add3A_755] : memref<6553600xf32, #tpu.memory_space<hbm>> -> memref<12800xf32, #tpu.memory_space<hbm>>
    %dma_wait3A_797 = tpu.memref_slice %arg5[%add3A_755] : memref<6553600xf32, #tpu.memory_space<hbm>> -> memref<12800xf32, #tpu.memory_space<hbm>>
    %dma_wait3A_798 = arith.constant 0 : i32
    %dma_wait3A_799 = tpu.memref_slice %arg8[%dma_wait3A_792, %dma_wait3A_798] : memref<2x12800xf32, #tpu.memory_space<vmem>> -> memref<1x12800xf32, #tpu.memory_space<vmem>>
    %dma_wait3A_800 = tpu.memref_squeeze %dma_wait3A_799 : memref<1x12800xf32, #tpu.memory_space<vmem>> -> memref<12800xf32, #tpu.memory_space<vmem>>
    tpu.wait_dma2 semaphore(%arg18 : memref<!tpu.dma_semaphore, #tpu.memory_space<semaphore_mem>>) src(%dma_wait3A_800 : memref<12800xf32, #tpu.memory_space<vmem>>) dst(%dma_wait3A_797 : memref<12800xf32, #tpu.memory_space<hbm>>)
    return
  }
}

</mosaic_0001>

<sc_bundles>
// kernel: kernel.3.cloned.1.call-start
scs
__scs_entry_jumppad:
0x0: {  	(pc) =	sbr.rel $0x88, $3  }
0x1: {  	(tag) =	ssettag $0x0;
	lr =	simm.s32 $0x1  }
0x2: {  	[smem:$0x3F9F] =	sst lr;
	_ =	strace $0xD0000000  }
0x3: {  	_ = 	snop  }
0x4: {  	_ = 	snop  }
0x5: {  	_ = 	snop  }
0x6: {  	_ = 	snop  }
0x7: {  	_ = 	snop  }
__scs_overlays_trampoline_lowered:
0x8: {  	[smem:$0x3FAE] =	sst s0  }
0x9: {  	[smem:$0x3FAF] =	sst s1  }
0xa: {  	[smem:$0x3FB0] =	sst s2  }
0xb: {  	[smem:$0x3FB1] =	sst s3  }
0xc: {  	[smem:$0x3FB2] =	sst s4  }
0xd: {  	[smem:$0x3FB3] =	sst s5  }
0xe: {  	[smem:$0x3FB4] =	sst s6  }
0xf: {  	[smem:$0x3FB5] =	sst s7  }
0x10: {  	[smem:$0x3FB6] =	sst s8  }
0x11: {  	[smem:$0x3FB7] =	sst s9;
	s0 =	simm.s32 @!p0 $0x0  }
0x12: {  	s1 =	sld [smem:$0x3F9D];
	s0 =	simm.s32 @p0 $0x1  }
0x13: {  	[smem:$0x3FB8] =	sst s0;
	s0 =	simm.s32 @!p1 $0x0  }
0x14: {  	s2 =	sld [smem:$0x3F9C];
	s0 =	simm.s32 @p1 $0x1  }
0x15: {  	[smem:$0x3FB9] =	sst s0;
	s0 =	simm.s32 @!p2 $0x0  }
0x16: {  	s3 =	sld [smem:$0x3FDB];
	s0 =	simm.s32 @p2 $0x1  }
0x17: {  	s4 =	simm.s32 $0x1BF5;
	[smem:$0x3FBB] =	sst s0  }
0x18: {  	s0 =	sld [smem:$0x3F9E];
	_ =	swait.ge [sflag:s4], $0x0  }
0x19: {  	s7 =	sld [smem:$0x3F9F]  }
0x1a: {  	s8 =	sadd.s32 $0xFFFFE003, lr  }
0x1b: {  	s9 =	sadd.s32 $0xFFFFFEF7, lr;
	s5 =	simm.s32 $0xFFFFFFFF;
	p2 =	slt.u32 s8, $0xFFFFF086  }
0x1c: {  	p1 =	slt.u32 s9, $0xF7A;
	s5 =	simm.s32 @!p2 $0x0  }
0x1d: {  	s5 =	simm.s32 @p1 $0x1;
	p0 =	seq.s32 s7, s2  }
0x1e: {  	s7 =	smul.u32 @!p0 $0xF7A, s2;
	p2 =	seq.s32 @!p0 s5, $0x0  }
0x1f: {  	s9 =	smul.u32 $0xF7A, s1;
	s8 =	simm.s32 @!p0 $0x1BF5;
	p2 =	por !p2, p0  }
0x20: {  	[sflag:s8] =	ssyncset.s32 @!p0 $0xFFFFF086;
	s6 =	sadd.s32 @!p0 s3, s7;
	s7 =	simm.s32 @!p0 $0x108  }
0x21: {  	s3 =	sadd.s32 s3, s9;
	s6 =	sadd.s32 @!p0 $0x88, s6;
	s7 =	simm.s32 @p2 $0x1082  }
0x22: {  	[simem:s7], [sflag:s8] =	dma.local @!p0 [hbm:s6], $0xF7A  }
0x23: {  	s9 =	sor.u32 $0xD0000000, s2;
	s6 =	simm.s32 $0x108;
	_ =	swait.ge @!p0 [sflag:s8], $0x0  }
0x24: {  	s3 =	sadd.s32 $0x88, s3;
	s6 =	simm.s32 @!p1 $0x1082;
	[sflag:s4] =	ssyncset.s32 $0xFFFFF086  }
0x25: {  	[simem:s6], [sflag:s4] =	dma.local [hbm:s3], $0xF7A  }
0x26: {  	[smem:$0x3F9F] =	sst s1;
	(tag) =	ssettag s2;
	_ =	strace s9  }
0x27: {  	s1 =	sld [smem:$0x3FAF]  }
0x28: {  	s2 =	sld [smem:$0x3FB0]  }
0x29: {  	s4 =	sld [smem:$0x3FB2]  }
0x2a: {  	p0 =	seq.s32 s5, $0x0;
	s5 =	sld [smem:$0x3FB3]  }
0x2b: {  	s6 =	sld [smem:$0x3FB4]  }
0x2c: {  	s7 =	sld [smem:$0x3FB5]  }
0x2d: {  	s3 =	simm.s32 $0x108;
	s8 =	sld [smem:$0x3FB6]  }
0x2e: {  	s3 =	simm.s32 @!p0 $0x1082;
	s9 =	sld [smem:$0x3FB7]  }
0x2f: {  	lr =	sadd.s32 s0, s3;
	s0 =	sld [smem:$0x3FAE]  }
0x30: {  	s3 =	sld [smem:$0x3FB1]  }
0x31: {  	[smem:$0x3FBA] =	sst s10  }
0x32: {  	s10 =	sld [smem:$0x3FB8];
	_ =	sdelay $0x3  }
0x33: {  	p0 =	seq.s32 s10, $0x1;
	s10 =	sld [smem:$0x3FBA];
	_ =	sdelay $0x3  }
0x34: {  	[smem:$0x3FBA] =	sst s10  }
0x35: {  	s10 =	sld [smem:$0x3FB9];
	_ =	sdelay $0x3  }
0x36: {  	p1 =	seq.s32 s10, $0x1;
	s10 =	sld [smem:$0x3FBA];
	_ =	sdelay $0x3  }
0x37: {  	[smem:$0x3FBA] =	sst s10  }
0x38: {  	s10 =	sld [smem:$0x3FBB]  }
0x39: {  	_ = 	snop;
	(pc) =	sbr.ind lr, $3  }
0x3a: {  	_ = 	snop  }
0x3b: {  	_ = 	snop  }
0x3c: {  	p2 =	seq.s32 s10, $0x1;
	s10 =	sld [smem:$0x3FBA]  }
0x3d: {  	_ =	shalt  }
0x3e: {  	_ =	shalt  }
0x3f: {  	_ =	shalt  }
0x40: {  	_ =	shalt  }
0x41: {  	_ =	shalt  }
0x42: {  	_ =	shalt  }
0x43: {  	_ =	shalt  }
0x44: {  	_ =	shalt  }
0x45: {  	_ =	shalt  }
0x46: {  	_ =	shalt  }
0x47: {  	_ =	shalt  }
0x48: {  	_ =	shalt  }
0x49: {  	_ =	shalt  }
0x4a: {  	_ =	shalt  }
0x4b: {  	_ =	shalt  }
0x4c: {  	_ =	shalt  }
0x4d: {  	_ =	shalt  }
0x4e: {  	_ =	shalt  }
0x4f: {  	_ =	shalt  }
0x50: {  	_ =	shalt  }
0x51: {  	_ =	shalt  }
0x52: {  	_ =	shalt  }
0x53: {  	_ =	shalt  }
0x54: {  	_ =	shalt  }
0x55: {  	_ =	shalt  }
0x56: {  	_ =	shalt  }
0x57: {  	_ =	shalt  }
0x58: {  	_ =	shalt  }
0x59: {  	_ =	shalt  }
0x5a: {  	_ =	shalt  }
0x5b: {  	_ =	shalt  }
0x5c: {  	_ =	shalt  }
0x5d: {  	_ =	shalt  }
0x5e: {  	_ =	shalt  }
0x5f: {  	_ =	shalt  }
0x60: {  	_ =	shalt  }
0x61: {  	_ =	shalt  }
0x62: {  	_ =	shalt  }
0x63: {  	_ =	shalt  }
0x64: {  	_ =	shalt  }
0x65: {  	_ =	shalt  }
0x66: {  	_ =	shalt  }
0x67: {  	_ =	shalt  }
0x68: {  	_ =	shalt  }
0x69: {  	_ =	shalt  }
0x6a: {  	_ =	shalt  }
0x6b: {  	_ =	shalt  }
0x6c: {  	_ =	shalt  }
0x6d: {  	_ =	shalt  }
0x6e: {  	_ =	shalt  }
0x6f: {  	_ =	shalt  }
0x70: {  	_ =	shalt  }
0x71: {  	_ =	shalt  }
0x72: {  	_ =	shalt  }
0x73: {  	_ =	shalt  }
0x74: {  	_ =	shalt  }
0x75: {  	_ =	shalt  }
0x76: {  	_ =	shalt  }
0x77: {  	_ =	shalt  }
0x78: {  	_ =	shalt  }
0x79: {  	_ =	shalt  }
0x7a: {  	_ =	shalt  }
0x7b: {  	_ =	shalt  }
0x7c: {  	_ =	shalt  }
0x7d: {  	_ =	shalt  }
0x7e: {  	_ =	shalt  }
0x7f: {  	_ =	shalt  }
0x80: {  	_ =	shalt  }
0x81: {  	_ =	shalt  }
0x82: {  	_ =	shalt  }
0x83: {  	_ =	shalt  }
0x84: {  	_ =	shalt  }
0x85: {  	_ =	shalt  }
0x86: {  	_ =	shalt  }
0x87: {  	_ =	shalt  }
.Lfunc_end0:
.L_simem_size_0:
called_computation_lowered:
.L_overlay_start_0:
0x88: {  	s2 =	sld [smem:$0x3FD9]  }
0x89: {  	s3 =	sld [smem:$0x3FFE];
	_ =	sdelay $0x1  }
0x8a: {  	s1 =	srdreg.scid  }
0x8b: {  	s0 =	sand.u32 $0x1, s1  }
0x8c: {  	s17 =	sshll.u32 s0, $0xA;
	s2 =	sadd.s32 s3, s2  }
0x8d: {  	s2 =	sadd.s32 s2, s17  }
0x8e: {  	[smem:$0x3FC6] =	sst s2  }
0x8f: {  	_ = 	snop  }
0x90: {  	s2 =	sld [smem:$0x3FD0];
	(tm) =	ssettm $0x1  }
0x91: {  	s18 =	sld [smem:$0x3FFB];
	_ =	sdelay $0x3  }
0x92: {  	_ =	strace s18  }
0x93: {  	s3 =	sld [smem:$0x3FFC];
	_ =	sdelay $0x3  }
0x94: {  	_ =	strace s3  }
0x95: {  	s3 =	sld [smem:$0x3FFD];
	_ =	sdelay $0x3  }
0x96: {  	_ =	strace s3  }
0x97: {  	_ =	strace $0x8FFFFFFF  }
0x98: {  	s19 =	sld [smem:$0x3FDB];
	_ =	sdelay $0x1  }
0x99: {  	s4 =	simm.s32 $_scs_section_size  }
0x9a: {  	s5 =	simm.s32 $_size__tile_overlayer_lowered;
	s6 =	simm.s32 $_tile_overlayer_lowered  }
0x9b: {  	s22 =	simm.s32 $0x1BFF;
	s21 =	sshll.u32 s6, $0x1;
	s3 =	sadd.s32 s4, s19  }
0x9c: {  	s7 =	simm.s32 $0x0;
	s20 =	sshll.u32 s5, $0x1;
	s5 =	sadd.s32 s21, s3  }
0x9d: {  	[timem:s7], [sflag:s22] =	dma.local [hbm:s5], s20  }
0x9e: {  	_ =	swait.ge [sflag:s22], s20  }
0x9f: {  	s4 =	ssub.s32 $0x0, s20;
	[sflag:s22] =	ssyncset.done $0x0  }
0xa0: {  	[sflag:s22] =	ssyncadd.s32 s4;
	_ =	sdelay $0x1  }
0xa1: {  	s23 =	simm.s32 $0x1B8B  }
0xa2: {  	_ =	swait.ge [sflag:s23], $0x1  }
0xa3: {  	[sflag:s23] =	ssyncset.done $0x0  }
0xa4: {  	s25 =	simm.s32 $0x1B8E;
	s24 =	sld [smem:$0x3FFE];
	[sflag:s23] =	ssyncadd.s32 $0xFFFFFFFF  }
0xa5: {  	s26 =	simm.s32 $execute0_lowered;
	[smem:$0x3FD2] =	sst s25  }
0xa6: {  	s5 =	sshll.u32 s26, $0x1;
	_ =	strace $0x80000046;
	[dreg:$0x1] =	wrdreg $0xFFFFFFFF  }
0xa7: {  	s28 =	simm.s32 $_size_execute0_lowered;
	s3 =	sadd.s32 s3, s5;
	[dreg:$0x0] =	wrdreg $0x0  }
0xa8: {  	s5 =	sshll.u32 s28, $0x1;
	[dreg:$0x2] =	wrdreg s3  }
0xa9: {  	[dreg:$0x3] =	wrdreg s5  }
0xaa: {  	[dreg:$0x4] =	wrdreg $0xC0  }
0xab: {  	_ =	task [dreg:s7], $0x5FFFF  }
0xac: {  	[dreg:$0x1] =	wrdreg $0xFFFFFFFF  }
0xad: {  	[dreg:$0x0] =	wrdreg $0x60  }
0xae: {  	[dreg:$0x2] =	wrdreg s24  }
0xaf: {  	[dreg:$0x3] =	wrdreg s2  }
0xb0: {  	[dreg:$0x4] =	wrdreg $0x9  }
0xb1: {  	_ =	task.clear_ibuf [dreg:s7], $0x5FFFF;
	_ =	strace $0x90000046  }
0xb2: {  	s29 =	simm.s32 $0x9;
	_ =	strace $0x80000048  }
0xb3: {  	_ =	swait.ge [sflag:s29], $0x1  }
0xb4: {  	[sflag:s29] =	ssyncadd.s32 $0xFFFFFFFF  }
0xb5: {  	_ =	strace $0x90000048  }
0xb6: {  	_ =	sfence  }
0xb7: {  	s30 =	sld [smem:$0x0];
	_ =	sdelay $0x2  }
0xb8: {  	s31 =	sshll.u32 s1, $0xD;
	s1 =	sshrl.u32 s1, $0x2  }
0xb9: {  	s3 =	sand.u32 $0x4000, s31;
	s1 =	sadd.s32 s1, s30  }
0xba: {  	s0 =	sor.u32 s3, s0;
	s1 =	sshll.u32 s1, $0x11  }
0xbb: {  	s0 =	sor.u32 s1, s0  }
0xbc: {  	s0 =	sadd.s32 $0x8F2B, s0  }
0xbd: {  	[sflag:s0] =	ssyncadd.remote.s32 $0x1  }
0xbe: {  	_ =	sfence.sel $0xFFFF  }
0xbf: {  	[dreg:$0x0] =	wrdreg $0xFFFFFFFF;
	(pc) =	sbr.abs _section_cstart, $3  }
0xc0: {  	[dreg:$0x1] =	wrdreg $0xFFFFFFFF  }
0xc1: {  	_ =	task.clear_ibuf [dreg:s7], $0x2FFFF;
	_ =	strace $0x9FFFFFFF  }
0xc2: {  	(tm) =	ssettm $0x7FFFFFFF  }
0xc3: {  	_ =	shalt  }
tec
execute0_lowered:
.L_overlay_start_1:
0x0: {  	(tag) =	ssettag $0x1  }
0x1: {  	s0 =	srdreg.scid;
	s3 =	rddreg [dreg:$0x0]  }
0x2: {  	s1 =	stileid.u32;
	s5 =	rddreg [dreg:$0x1]  }
0x3: {  	s2 =	simm.s32 $0x0;
	s30 =	simm.s32 $0x1;
	s11 =	simm.s32 $0xFA00  }
0x4: {  	p0 =	por $0x0, $0x0;
	s0 =	sand.u32 $0x1, s0;
	s1 =	sshll.u32 s1, $0x1  }
0x5: {  	s12 =	simm.s32 $0x9;
	s1 =	sor.u32 s0, s1;
	s0 =	ssub.s32 $0x2, s0  }
0x6: {  	[smem:$0x7FF] =	sst s2;
	s1 =	smul.u32 $0x19000, s1;
	s10 =	sshrl.u32 s0, $0x1  }
0x7: {  	s6 =	sadd.s32 $0x3D400, s3;
	_ =	strace $0x80000047;
	s0 =	ssub.s32 s0, s10  }
0x8: {  	s10 =	simm.s32 $0x9600;
	s1 =	sshrl.u32 s1, $0x3;
	s0 =	smax.u32 s0, $0x1  }
0x9: {  	s4 =	sadd.s32 s6, s1;
	s7 =	sadd.s32 $0x640, s1;
	s31 =	sadd.s32 s5, s1  }
0xa: {  	s8 =	sadd.s32 $0xC80, s1;
	[dreg:$0x3] =	wrdreg s4;
	s13 =	sadd.s32 s6, s7  }
0xb: {  	s18 =	sadd.s32 $0x12C0, s1;
	s14 =	sadd.s32 $0x64000, s31;
	[dreg:$0x4] =	wrdreg s13  }
0xc: {  	s20 =	sadd.s32 $0x1900, s1;
	s15 =	sadd.s32 s6, s8;
	[dreg:$0x5] =	wrdreg s14  }
0xd: {  	s23 =	sadd.s32 $0x1F40, s1;
	s16 =	sadd.s32 s5, s7;
	[dreg:$0x6] =	wrdreg s15  }
0xe: {  	s25 =	sadd.s32 $0x2580, s1;
	s17 =	sadd.s32 $0x64640, s31;
	[dreg:$0x7] =	wrdreg s16  }
0xf: {  	s1 =	sadd.s32 $0x2BC0, s1;
	s9 =	sadd.s32 s6, s18;
	[dreg:$0x8] =	wrdreg s17  }
0x10: {  	p1 =	sne.s32 s0, $0x1;
	s8 =	sadd.s32 s5, s8;
	[dreg:$0x9] =	wrdreg s9  }
0x11: {  	s4 =	sadd.s32 $0x1EA00, s3;
	s19 =	sadd.s32 $0x64C80, s31;
	[dreg:$0xa] =	wrdreg s8  }
0x12: {  	s21 =	sadd.s32 s6, s20;
	s7 =	sadd.s32 s5, s18;
	[dreg:$0xb] =	wrdreg s19  }
0x13: {  	s22 =	sadd.s32 $0x652C0, s31;
	s24 =	sadd.s32 s6, s23;
	[dreg:$0xc] =	wrdreg s21  }
0x14: {  	s26 =	sadd.s32 s5, s20;
	s28 =	sadd.s32 $0x65900, s31;
	[dreg:$0xd] =	wrdreg s7  }
0x15: {  	s29 =	sadd.s32 s6, s25;
	s20 =	simm.s32 $0x4;
	[dreg:$0xe] =	wrdreg s22  }
0x16: {  	s18 =	simm.s32 $0x6;
	[dreg:$0xf] =	wrdreg s24;
	s22 =	sadd.s32 s5, s23  }
0x17: {  	s23 =	sadd.s32 $0x65F40, s31;
	s24 =	sadd.s32 s6, s1;
	s7 =	sadd.s32 s5, s25  }
.Ltmp0:
0x18: {  	s8 =	sadd.s32 $0x66580, s31;
	s5 =	sadd.s32 s5, s1;
	(pc) =	sbr.rel @!p1 .LBB2_3-.Ltmp0, $4  }
0x19: {  	s6 =	sadd.s32 $0x66BC0, s31;
	s17 =	simm.s32 $0x3200;
	s15 =	simm.s32 $0x6400  }
0x1a: {  	s16 =	simm.s32 $0xC800;
	s25 =	simm.s32 $0x2;
	s21 =	simm.s32 $0x3  }
0x1b: {  	s19 =	simm.s32 $0x5;
	s1 =	sadd.s32 $0xFFFFFFFF, s0;
	s14 =	simm.s32 $0x7  }
0x1c: {  	s13 =	simm.s32 $0x8;
	s9 =	simm.s32 $0xA;
	s0 =	rddreg [dreg:$0x3]  }
0x1d: {  	[tilespmem:s2], [sflag:$0x1] =	stream.linear.gather [hbm4b:s0+s2], $0x3200, $0x38;
	[tilespmem:$0x12C00] =	vst v63  }
0x1e: {  	_ =	swait.ge [sflag:s30], $0x3200  }
0x1f: {  	[sflag:s30] =	ssyncset.done $0x0  }
0x20: {  	[sflag:s30] =	ssyncadd.s32 $0xFFFFCE00  }
0x21: {  	[tilespmem:s15], [sflag:$0x3] =	stream.indirect.gather [hbm4b:s4+s17], $0x1, s2, s17, $0xb8;
	[tilespmem:$0x12C00] =	vst v63  }
0x22: {  	_ = 	snop  }
0x23: {  	[tilespmem:s16], [sflag:$0x5] =	stream.indirect.gather [hbm4b:s3+s17], $0x1, s2, s17, $0xb8;
	[tilespmem:$0x12C00] =	vst v63  }
0x24: {  	s0 =	rddreg [dreg:$0x4]  }
0x25: {  	[tilespmem:s17], [sflag:$0x2] =	stream.linear.gather [hbm4b:s0+s2], $0x3200, $0x38;
	[tilespmem:$0x12C00] =	vst v63  }
0x26: {  	_ =	swait.ge [sflag:s25], $0x3200  }
0x27: {  	[sflag:s25] =	ssyncset.done $0x0  }
0x28: {  	[sflag:s25] =	ssyncadd.s32 $0xFFFFCE00  }
0x29: {  	[tilespmem:s10], [sflag:$0x4] =	stream.indirect.gather [hbm4b:s4+s17], $0x1, s17, s17, $0xb8;
	[tilespmem:$0x12C00] =	vst v63  }
0x2a: {  	_ = 	snop  }
0x2b: {  	[tilespmem:s11], [sflag:$0x6] =	stream.indirect.gather [hbm4b:s3+s17], $0x1, s17, s17, $0xb8;
	[tilespmem:$0x12C00] =	vst v63  }
0x2c: {  	_ =	swait.ge [sflag:s21], $0x3200  }
0x2d: {  	[sflag:s21] =	ssyncset.done $0x0  }
0x2e: {  	[sflag:s21] =	ssyncadd.s32 $0xFFFFCE00  }
0x2f: {  	_ =	swait.ge [sflag:s19], $0x3200  }
0x30: {  	[sflag:s19] =	ssyncset.done $0x0  }
0x31: {  	[dreg:$0x10] =	wrdreg s1;
	[sflag:s19] =	ssyncadd.s32 $0xFFFFCE00  }
0x32: {  	[hbm4b:s31+s2] =	stream.linear.scatter [tilespmem:s15], [sflag:$0x7], $0x3200, $0x38;
	[tilespmem:$0x12C00] =	vst v63  }
0x33: {  	s0 =	rddreg [dreg:$0x5]  }
0x34: {  	[hbm4b:s0+s2] =	stream.linear.scatter [tilespmem:s16], [sflag:$0x9], $0x3200, $0x38;
	[tilespmem:$0x12C00] =	vst v63  }
0x35: {  	s1 =	rddreg [dreg:$0x6]  }
0x36: {  	[tilespmem:s2], [sflag:$0x1] =	stream.linear.gather [hbm4b:s1+s2], $0x3200, $0x38;
	[tilespmem:$0x12C00] =	vst v63  }
0x37: {  	_ =	swait.ge [sflag:s30], $0x3200  }
0x38: {  	[sflag:s30] =	ssyncset.done $0x0  }
0x39: {  	[sflag:s30] =	ssyncadd.s32 $0xFFFFCE00  }
0x3a: {  	_ =	swait.ge [sflag:s14], $0x3200  }
0x3b: {  	[sflag:s14] =	ssyncset.done $0x0  }
0x3c: {  	[sflag:s14] =	ssyncadd.s32 $0xFFFFCE00  }
0x3d: {  	_ =	swait.ge [sflag:s12], $0x3200  }
0x3e: {  	[sflag:s12] =	ssyncset.done $0x0  }
0x3f: {  	[sflag:s12] =	ssyncadd.s32 $0xFFFFCE00  }
0x40: {  	[tilespmem:s15], [sflag:$0x3] =	stream.indirect.gather [hbm4b:s4+s17], $0x1, s2, s17, $0xb8;
	[tilespmem:$0x12C00] =	vst v63  }
0x41: {  	_ = 	snop  }
0x42: {  	[tilespmem:s16], [sflag:$0x5] =	stream.indirect.gather [hbm4b:s3+s17], $0x1, s2, s17, $0xb8;
	[tilespmem:$0x12C00] =	vst v63  }
0x43: {  	_ =	swait.ge [sflag:s20], $0x3200  }
0x44: {  	[sflag:s20] =	ssyncset.done $0x0  }
0x45: {  	[sflag:s20] =	ssyncadd.s32 $0xFFFFCE00  }
0x46: {  	_ =	swait.ge [sflag:s18], $0x3200  }
0x47: {  	[sflag:s18] =	ssyncset.done $0x0  }
0x48: {  	s0 =	rddreg [dreg:$0x7];
	[sflag:s18] =	ssyncadd.s32 $0xFFFFCE00  }
0x49: {  	[hbm4b:s0+s2] =	stream.linear.scatter [tilespmem:s10], [sflag:$0x8], $0x3200, $0x38;
	[tilespmem:$0x12C00] =	vst v63  }
0x4a: {  	s1 =	rddreg [dreg:$0x8]  }
0x4b: {  	[hbm4b:s1+s2] =	stream.linear.scatter [tilespmem:s11], [sflag:$0xA], $0x3200, $0x38;
	[tilespmem:$0x12C00] =	vst v63  }
0x4c: {  	s0 =	rddreg [dreg:$0x9]  }
0x4d: {  	[tilespmem:s17], [sflag:$0x2] =	stream.linear.gather [hbm4b:s0+s2], $0x3200, $0x38;
	[tilespmem:$0x12C00] =	vst v63  }
0x4e: {  	_ =	swait.ge [sflag:s25], $0x3200  }
0x4f: {  	[sflag:s25] =	ssyncset.done $0x0  }
0x50: {  	[sflag:s25] =	ssyncadd.s32 $0xFFFFCE00  }
0x51: {  	_ =	swait.ge [sflag:s13], $0x3200  }
0x52: {  	[sflag:s13] =	ssyncset.done $0x0  }
0x53: {  	[sflag:s13] =	ssyncadd.s32 $0xFFFFCE00  }
0x54: {  	_ =	swait.ge [sflag:s9], $0x3200  }
0x55: {  	[sflag:s9] =	ssyncset.done $0x0  }
0x56: {  	[sflag:s9] =	ssyncadd.s32 $0xFFFFCE00  }
0x57: {  	[tilespmem:s10], [sflag:$0x4] =	stream.indirect.gather [hbm4b:s4+s17], $0x1, s17, s17, $0xb8;
	[tilespmem:$0x12C00] =	vst v63  }
0x58: {  	_ = 	snop  }
0x59: {  	[tilespmem:s11], [sflag:$0x6] =	stream.indirect.gather [hbm4b:s3+s17], $0x1, s17, s17, $0xb8;
	[tilespmem:$0x12C00] =	vst v63  }
0x5a: {  	_ =	swait.ge [sflag:s21], $0x3200  }
0x5b: {  	[sflag:s21] =	ssyncset.done $0x0  }
0x5c: {  	[sflag:s21] =	ssyncadd.s32 $0xFFFFCE00  }
0x5d: {  	_ =	swait.ge [sflag:s19], $0x3200  }
0x5e: {  	[sflag:s19] =	ssyncset.done $0x0  }
0x5f: {  	s0 =	rddreg [dreg:$0xa];
	[sflag:s19] =	ssyncadd.s32 $0xFFFFCE00  }
0x60: {  	[hbm4b:s0+s2] =	stream.linear.scatter [tilespmem:s15], [sflag:$0x7], $0x3200, $0x38;
	[tilespmem:$0x12C00] =	vst v63  }
0x61: {  	s1 =	rddreg [dreg:$0xb]  }
0x62: {  	[hbm4b:s1+s2] =	stream.linear.scatter [tilespmem:s16], [sflag:$0x9], $0x3200, $0x38;
	[tilespmem:$0x12C00] =	vst v63  }
0x63: {  	s0 =	rddreg [dreg:$0xc]  }
0x64: {  	[tilespmem:s2], [sflag:$0x1] =	stream.linear.gather [hbm4b:s0+s2], $0x3200, $0x38;
	[tilespmem:$0x12C00] =	vst v63  }
0x65: {  	_ =	swait.ge [sflag:s30], $0x3200  }
0x66: {  	[sflag:s30] =	ssyncset.done $0x0  }
0x67: {  	[sflag:s30] =	ssyncadd.s32 $0xFFFFCE00  }
0x68: {  	_ =	swait.ge [sflag:s14], $0x3200  }
0x69: {  	[sflag:s14] =	ssyncset.done $0x0  }
0x6a: {  	[sflag:s14] =	ssyncadd.s32 $0xFFFFCE00  }
0x6b: {  	_ =	swait.ge [sflag:s12], $0x3200  }
0x6c: {  	[sflag:s12] =	ssyncset.done $0x0  }
0x6d: {  	[sflag:s12] =	ssyncadd.s32 $0xFFFFCE00  }
0x6e: {  	[tilespmem:s15], [sflag:$0x3] =	stream.indirect.gather [hbm4b:s4+s17], $0x1, s2, s17, $0xb8;
	[tilespmem:$0x12C00] =	vst v63  }
0x6f: {  	_ = 	snop  }
0x70: {  	[tilespmem:s16], [sflag:$0x5] =	stream.indirect.gather [hbm4b:s3+s17], $0x1, s2, s17, $0xb8;
	[tilespmem:$0x12C00] =	vst v63  }
0x71: {  	_ =	swait.ge [sflag:s20], $0x3200  }
0x72: {  	[sflag:s20] =	ssyncset.done $0x0  }
0x73: {  	[sflag:s20] =	ssyncadd.s32 $0xFFFFCE00  }
0x74: {  	_ =	swait.ge [sflag:s18], $0x3200  }
0x75: {  	[sflag:s18] =	ssyncset.done $0x0  }
0x76: {  	s0 =	rddreg [dreg:$0xd];
	[sflag:s18] =	ssyncadd.s32 $0xFFFFCE00  }
0x77: {  	[hbm4b:s0+s2] =	stream.linear.scatter [tilespmem:s10], [sflag:$0x8], $0x3200, $0x38;
	[tilespmem:$0x12C00] =	vst v63  }
0x78: {  	s1 =	rddreg [dreg:$0xe]  }
0x79: {  	[hbm4b:s1+s2] =	stream.linear.scatter [tilespmem:s11], [sflag:$0xA], $0x3200, $0x38;
	[tilespmem:$0x12C00] =	vst v63  }
0x7a: {  	s0 =	rddreg [dreg:$0xf]  }
0x7b: {  	[tilespmem:s17], [sflag:$0x2] =	stream.linear.gather [hbm4b:s0+s2], $0x3200, $0x38;
	[tilespmem:$0x12C00] =	vst v63  }
0x7c: {  	_ =	swait.ge [sflag:s25], $0x3200  }
0x7d: {  	[sflag:s25] =	ssyncset.done $0x0  }
0x7e: {  	[sflag:s25] =	ssyncadd.s32 $0xFFFFCE00  }
0x7f: {  	_ =	swait.ge [sflag:s13], $0x3200  }
0x80: {  	[sflag:s13] =	ssyncset.done $0x0  }
0x81: {  	[sflag:s13] =	ssyncadd.s32 $0xFFFFCE00  }
0x82: {  	_ =	swait.ge [sflag:s9], $0x3200  }
0x83: {  	[sflag:s9] =	ssyncset.done $0x0  }
0x84: {  	[sflag:s9] =	ssyncadd.s32 $0xFFFFCE00  }
0x85: {  	[tilespmem:s10], [sflag:$0x4] =	stream.indirect.gather [hbm4b:s4+s17], $0x1, s17, s17, $0xb8;
	[tilespmem:$0x12C00] =	vst v63  }
0x86: {  	_ = 	snop  }
0x87: {  	[tilespmem:s11], [sflag:$0x6] =	stream.indirect.gather [hbm4b:s3+s17], $0x1, s17, s17, $0xb8;
	[tilespmem:$0x12C00] =	vst v63  }
0x88: {  	_ =	swait.ge [sflag:s21], $0x3200  }
0x89: {  	[sflag:s21] =	ssyncset.done $0x0  }
0x8a: {  	[sflag:s21] =	ssyncadd.s32 $0xFFFFCE00  }
0x8b: {  	_ =	swait.ge [sflag:s19], $0x3200  }
0x8c: {  	[sflag:s19] =	ssyncset.done $0x0  }
0x8d: {  	[sflag:s19] =	ssyncadd.s32 $0xFFFFCE00  }
0x8e: {  	[hbm4b:s26+s2] =	stream.linear.scatter [tilespmem:s15], [sflag:$0x7], $0x3200, $0x38;
	[tilespmem:$0x12C00] =	vst v63  }
0x8f: {  	_ = 	snop  }
0x90: {  	[hbm4b:s28+s2] =	stream.linear.scatter [tilespmem:s16], [sflag:$0x9], $0x3200, $0x38;
	[tilespmem:$0x12C00] =	vst v63  }
0x91: {  	_ = 	snop  }
0x92: {  	[tilespmem:s2], [sflag:$0x1] =	stream.linear.gather [hbm4b:s29+s2], $0x3200, $0x38;
	[tilespmem:$0x12C00] =	vst v63  }
0x93: {  	_ =	swait.ge [sflag:s30], $0x3200  }
0x94: {  	[sflag:s30] =	ssyncset.done $0x0  }
0x95: {  	[sflag:s30] =	ssyncadd.s32 $0xFFFFCE00  }
0x96: {  	_ =	swait.ge [sflag:s14], $0x3200  }
0x97: {  	[sflag:s14] =	ssyncset.done $0x0  }
0x98: {  	[sflag:s14] =	ssyncadd.s32 $0xFFFFCE00  }
0x99: {  	_ =	swait.ge [sflag:s12], $0x3200  }
0x9a: {  	[sflag:s12] =	ssyncset.done $0x0  }
0x9b: {  	[sflag:s12] =	ssyncadd.s32 $0xFFFFCE00  }
0x9c: {  	[tilespmem:s15], [sflag:$0x3] =	stream.indirect.gather [hbm4b:s4+s17], $0x1, s2, s17, $0xb8;
	[tilespmem:$0x12C00] =	vst v63  }
0x9d: {  	_ = 	snop  }
0x9e: {  	[tilespmem:s16], [sflag:$0x5] =	stream.indirect.gather [hbm4b:s3+s17], $0x1, s2, s17, $0xb8;
	[tilespmem:$0x12C00] =	vst v63  }
0x9f: {  	_ =	swait.ge [sflag:s20], $0x3200  }
0xa0: {  	[sflag:s20] =	ssyncset.done $0x0  }
0xa1: {  	[sflag:s20] =	ssyncadd.s32 $0xFFFFCE00  }
0xa2: {  	_ =	swait.ge [sflag:s18], $0x3200  }
0xa3: {  	[sflag:s18] =	ssyncset.done $0x0  }
0xa4: {  	[sflag:s18] =	ssyncadd.s32 $0xFFFFCE00  }
0xa5: {  	[hbm4b:s22+s2] =	stream.linear.scatter [tilespmem:s10], [sflag:$0x8], $0x3200, $0x38;
	[tilespmem:$0x12C00] =	vst v63  }
0xa6: {  	_ = 	snop  }
0xa7: {  	[hbm4b:s23+s2] =	stream.linear.scatter [tilespmem:s11], [sflag:$0xA], $0x3200, $0x38;
	[tilespmem:$0x12C00] =	vst v63  }
0xa8: {  	_ = 	snop  }
0xa9: {  	[tilespmem:s17], [sflag:$0x2] =	stream.linear.gather [hbm4b:s24+s2], $0x3200, $0x38;
	[tilespmem:$0x12C00] =	vst v63  }
0xaa: {  	_ =	swait.ge [sflag:s25], $0x3200  }
0xab: {  	[sflag:s25] =	ssyncset.done $0x0  }
0xac: {  	[sflag:s25] =	ssyncadd.s32 $0xFFFFCE00  }
0xad: {  	_ =	swait.ge [sflag:s13], $0x3200  }
0xae: {  	[sflag:s13] =	ssyncset.done $0x0  }
0xaf: {  	[sflag:s13] =	ssyncadd.s32 $0xFFFFCE00  }
0xb0: {  	_ =	swait.ge [sflag:s9], $0x3200  }
0xb1: {  	[sflag:s9] =	ssyncset.done $0x0  }
0xb2: {  	[sflag:s9] =	ssyncadd.s32 $0xFFFFCE00  }
0xb3: {  	[tilespmem:s10], [sflag:$0x4] =	stream.indirect.gather [hbm4b:s4+s17], $0x1, s17, s17, $0xb8;
	[tilespmem:$0x12C00] =	vst v63  }
0xb4: {  	_ = 	snop  }
0xb5: {  	[tilespmem:s11], [sflag:$0x6] =	stream.indirect.gather [hbm4b:s3+s17], $0x1, s17, s17, $0xb8;
	[tilespmem:$0x12C00] =	vst v63  }
0xb6: {  	_ =	swait.ge [sflag:s21], $0x3200  }
0xb7: {  	[sflag:s21] =	ssyncset.done $0x0  }
0xb8: {  	[sflag:s21] =	ssyncadd.s32 $0xFFFFCE00  }
0xb9: {  	_ =	swait.ge [sflag:s19], $0x3200  }
0xba: {  	[sflag:s19] =	ssyncset.done $0x0  }
0xbb: {  	[sflag:s19] =	ssyncadd.s32 $0xFFFFCE00  }
0xbc: {  	[hbm4b:s7+s2] =	stream.linear.scatter [tilespmem:s15], [sflag:$0x7], $0x3200, $0x38;
	[tilespmem:$0x12C00] =	vst v63  }
0xbd: {  	_ = 	snop  }
0xbe: {  	[hbm4b:s8+s2] =	stream.linear.scatter [tilespmem:s16], [sflag:$0x9], $0x3200, $0x38;
	[tilespmem:$0x12C00] =	vst v63  }
0xbf: {  	_ =	swait.ge [sflag:s20], $0x3200  }
0xc0: {  	[sflag:s20] =	ssyncset.done $0x0  }
0xc1: {  	[sflag:s20] =	ssyncadd.s32 $0xFFFFCE00  }
0xc2: {  	_ =	swait.ge [sflag:s18], $0x3200  }
0xc3: {  	[sflag:s18] =	ssyncset.done $0x0  }
0xc4: {  	[sflag:s18] =	ssyncadd.s32 $0xFFFFCE00  }
0xc5: {  	[hbm4b:s5+s2] =	stream.linear.scatter [tilespmem:s10], [sflag:$0x8], $0x3200, $0x38;
	[tilespmem:$0x12C00] =	vst v63  }
0xc6: {  	_ = 	snop  }
0xc7: {  	[hbm4b:s6+s2] =	stream.linear.scatter [tilespmem:s11], [sflag:$0xA], $0x3200, $0x38;
	[tilespmem:$0x12C00] =	vst v63  }
0xc8: {  	_ =	swait.ge [sflag:s14], $0x3200  }
0xc9: {  	[sflag:s14] =	ssyncset.done $0x0  }
0xca: {  	[sflag:s14] =	ssyncadd.s32 $0xFFFFCE00  }
0xcb: {  	_ =	swait.ge [sflag:s12], $0x3200  }
0xcc: {  	[sflag:s12] =	ssyncset.done $0x0  }
0xcd: {  	[sflag:s12] =	ssyncadd.s32 $0xFFFFCE00  }
0xce: {  	_ =	swait.ge [sflag:s13], $0x3200  }
0xcf: {  	s1 =	rddreg [dreg:$0x10]  }
0xd0: {  	p1 =	sne.s32 s1, $0x1  }
.Ltmp1:
0xd1: {  	_ = 	snop;
	(pc) =	sbr.rel @!p1 .LBB2_3-.Ltmp1, $4  }
0xd2: {  	[sflag:s13] =	ssyncset.done $0x0  }
0xd3: {  	[sflag:s13] =	ssyncadd.s32 $0xFFFFCE00  }
0xd4: {  	p0 =	por $0x1, $0x1;
	_ =	swait.ge [sflag:s9], $0x3200  }
0xd5: {  	s1 =	sadd.s32 $0xFFFFFFFF, s1;
	s0 =	rddreg [dreg:$0x3];
	[sflag:s9] =	ssyncset.done $0x0  }
.LBB2_2:
0xd6: {  	[sflag:s9] =	ssyncadd.s32 $0xFFFFCE00  }
0xd7: {  	[tilespmem:s2], [sflag:$0x1] =	stream.linear.gather [hbm4b:s0+s2], $0x3200, $0x38;
	[tilespmem:$0x12C00] =	vst v63  }
0xd8: {  	_ =	swait.ge [sflag:s30], $0x3200  }
0xd9: {  	[sflag:s30] =	ssyncset.done $0x0  }
0xda: {  	[sflag:s30] =	ssyncadd.s32 $0xFFFFCE00  }
0xdb: {  	[tilespmem:s15], [sflag:$0x3] =	stream.indirect.gather [hbm4b:s4+s17], $0x1, s2, s17, $0xb8;
	[tilespmem:$0x12C00] =	vst v63  }
0xdc: {  	_ = 	snop  }
0xdd: {  	[tilespmem:s16], [sflag:$0x5] =	stream.indirect.gather [hbm4b:s3+s17], $0x1, s2, s17, $0xb8;
	[tilespmem:$0x12C00] =	vst v63  }
0xde: {  	s9 =	rddreg [dreg:$0x4]  }
0xdf: {  	[tilespmem:s17], [sflag:$0x2] =	stream.linear.gather [hbm4b:s9+s2], $0x3200, $0x38;
	[tilespmem:$0x12C00] =	vst v63  }
0xe0: {  	_ =	swait.ge [sflag:s25], $0x3200  }
0xe1: {  	[sflag:s25] =	ssyncset.done $0x0  }
0xe2: {  	[sflag:s25] =	ssyncadd.s32 $0xFFFFCE00  }
0xe3: {  	[tilespmem:s10], [sflag:$0x4] =	stream.indirect.gather [hbm4b:s4+s17], $0x1, s17, s17, $0xb8;
	[tilespmem:$0x12C00] =	vst v63  }
0xe4: {  	_ = 	snop  }
0xe5: {  	[tilespmem:s11], [sflag:$0x6] =	stream.indirect.gather [hbm4b:s3+s17], $0x1, s17, s17, $0xb8;
	[tilespmem:$0x12C00] =	vst v63  }
0xe6: {  	_ =	swait.ge [sflag:s21], $0x3200  }
0xe7: {  	[sflag:s21] =	ssyncset.done $0x0  }
0xe8: {  	[sflag:s21] =	ssyncadd.s32 $0xFFFFCE00  }
0xe9: {  	_ =	swait.ge [sflag:s19], $0x3200  }
0xea: {  	[sflag:s19] =	ssyncset.done $0x0  }
0xeb: {  	s9 =	simm.s32 $0xC800;
	s10 =	smov.u32 s31;
	[sflag:s19] =	ssyncadd.s32 $0xFFFFCE00  }
0xec: {  	[hbm4b:s31+s2] =	stream.linear.scatter [tilespmem:s15], [sflag:$0x7], $0x3200, $0x38;
	[tilespmem:$0x12C00] =	vst v63  }
0xed: {  	s0 =	rddreg [dreg:$0x5];
	s31 =	smov.u32 s29;
	s29 =	smov.u32 s28  }
0xee: {  	s28 =	smov.u32 s26;
	s26 =	smov.u32 s24;
	s24 =	smov.u32 s23  }
0xef: {  	s23 =	smov.u32 s22;
	s22 =	smov.u32 s8;
	s8 =	smov.u32 s7  }
0xf0: {  	[hbm4b:s0+s2] =	stream.linear.scatter [tilespmem:s9], [sflag:$0x9], $0x3200, $0x38;
	[tilespmem:$0x12C00] =	vst v63  }
0xf1: {  	s7 =	smov.u32 s6;
	s6 =	smov.u32 s5;
	s5 =	rddreg [dreg:$0x6]  }
0xf2: {  	[tilespmem:s2], [sflag:$0x1] =	stream.linear.gather [hbm4b:s5+s2], $0x3200, $0x38;
	[tilespmem:$0x12C00] =	vst v63  }
0xf3: {  	_ =	swait.ge [sflag:s30], $0x3200  }
0xf4: {  	[sflag:s30] =	ssyncset.done $0x0  }
0xf5: {  	[sflag:s30] =	ssyncadd.s32 $0xFFFFCE00  }
0xf6: {  	_ =	swait.ge [sflag:s14], $0x3200  }
0xf7: {  	[sflag:s14] =	ssyncset.done $0x0  }
0xf8: {  	[sflag:s14] =	ssyncadd.s32 $0xFFFFCE00  }
0xf9: {  	_ =	swait.ge [sflag:s12], $0x3200  }
0xfa: {  	[sflag:s12] =	ssyncset.done $0x0  }
0xfb: {  	s16 =	simm.s32 $0x6400;
	[sflag:s12] =	ssyncadd.s32 $0xFFFFCE00  }
0xfc: {  	[tilespmem:s16], [sflag:$0x3] =	stream.indirect.gather [hbm4b:s4+s17], $0x1, s2, s17, $0xb8;
	[tilespmem:$0x12C00] =	vst v63  }
0xfd: {  	s16 =	simm.s32 $0xC800  }
0xfe: {  	[tilespmem:s16], [sflag:$0x5] =	stream.indirect.gather [hbm4b:s3+s17], $0x1, s2, s17, $0xb8;
	[tilespmem:$0x12C00] =	vst v63  }
0xff: {  	_ =	swait.ge [sflag:s20], $0x3200  }
0x100: {  	[sflag:s20] =	ssyncset.done $0x0  }
0x101: {  	[sflag:s20] =	ssyncadd.s32 $0xFFFFCE00  }
0x102: {  	_ =	swait.ge [sflag:s18], $0x3200  }
0x103: {  	[sflag:s18] =	ssyncset.done $0x0  }
0x104: {  	s11 =	simm.s32 $0x9600;
	s0 =	rddreg [dreg:$0x7];
	[sflag:s18] =	ssyncadd.s32 $0xFFFFCE00  }
0x105: {  	[hbm4b:s0+s2] =	stream.linear.scatter [tilespmem:s11], [sflag:$0x8], $0x3200, $0x38;
	[tilespmem:$0x12C00] =	vst v63  }
0x106: {  	s15 =	simm.s32 $0xFA00;
	s5 =	rddreg [dreg:$0x8]  }
0x107: {  	[hbm4b:s5+s2] =	stream.linear.scatter [tilespmem:s15], [sflag:$0xA], $0x3200, $0x38;
	[tilespmem:$0x12C00] =	vst v63  }
0x108: {  	s0 =	rddreg [dreg:$0x9]  }
0x109: {  	[tilespmem:s17], [sflag:$0x2] =	stream.linear.gather [hbm4b:s0+s2], $0x3200, $0x38;
	[tilespmem:$0x12C00] =	vst v63  }
0x10a: {  	_ =	swait.ge [sflag:s25], $0x3200  }
0x10b: {  	[sflag:s25] =	ssyncset.done $0x0  }
0x10c: {  	[sflag:s25] =	ssyncadd.s32 $0xFFFFCE00  }
0x10d: {  	_ =	swait.ge [sflag:s13], $0x3200  }
0x10e: {  	[sflag:s13] =	ssyncset.done $0x0  }
0x10f: {  	s9 =	simm.s32 $0xA;
	[sflag:s13] =	ssyncadd.s32 $0xFFFFCE00  }
0x110: {  	_ =	swait.ge [sflag:s9], $0x3200  }
0x111: {  	[sflag:s9] =	ssyncset.done $0x0  }
0x112: {  	[sflag:s9] =	ssyncadd.s32 $0xFFFFCE00  }
0x113: {  	[tilespmem:s11], [sflag:$0x4] =	stream.indirect.gather [hbm4b:s4+s17], $0x1, s17, s17, $0xb8;
	[tilespmem:$0x12C00] =	vst v63  }
0x114: {  	_ = 	snop  }
0x115: {  	[tilespmem:s15], [sflag:$0x6] =	stream.indirect.gather [hbm4b:s3+s17], $0x1, s17, s17, $0xb8;
	[tilespmem:$0x12C00] =	vst v63  }
0x116: {  	_ =	swait.ge [sflag:s21], $0x3200  }
0x117: {  	[sflag:s21] =	ssyncset.done $0x0  }
0x118: {  	[sflag:s21] =	ssyncadd.s32 $0xFFFFCE00  }
0x119: {  	_ =	swait.ge [sflag:s19], $0x3200  }
0x11a: {  	[sflag:s19] =	ssyncset.done $0x0  }
0x11b: {  	s15 =	simm.s32 $0x6400;
	s0 =	rddreg [dreg:$0xa];
	[sflag:s19] =	ssyncadd.s32 $0xFFFFCE00  }
0x11c: {  	[hbm4b:s0+s2] =	stream.linear.scatter [tilespmem:s15], [sflag:$0x7], $0x3200, $0x38;
	[tilespmem:$0x12C00] =	vst v63  }
0x11d: {  	s5 =	rddreg [dreg:$0xb]  }
0x11e: {  	[hbm4b:s5+s2] =	stream.linear.scatter [tilespmem:s16], [sflag:$0x9], $0x3200, $0x38;
	[tilespmem:$0x12C00] =	vst v63  }
0x11f: {  	s0 =	rddreg [dreg:$0xc]  }
0x120: {  	[tilespmem:s2], [sflag:$0x1] =	stream.linear.gather [hbm4b:s0+s2], $0x3200, $0x38;
	[tilespmem:$0x12C00] =	vst v63  }
0x121: {  	_ =	swait.ge [sflag:s30], $0x3200  }
0x122: {  	[sflag:s30] =	ssyncset.done $0x0  }
0x123: {  	[sflag:s30] =	ssyncadd.s32 $0xFFFFCE00  }
0x124: {  	_ =	swait.ge [sflag:s14], $0x3200  }
0x125: {  	[sflag:s14] =	ssyncset.done $0x0  }
0x126: {  	[sflag:s14] =	ssyncadd.s32 $0xFFFFCE00  }
0x127: {  	_ =	swait.ge [sflag:s12], $0x3200  }
0x128: {  	[sflag:s12] =	ssyncset.done $0x0  }
0x129: {  	[sflag:s12] =	ssyncadd.s32 $0xFFFFCE00  }
0x12a: {  	[tilespmem:s15], [sflag:$0x3] =	stream.indirect.gather [hbm4b:s4+s17], $0x1, s2, s17, $0xb8;
	[tilespmem:$0x12C00] =	vst v63  }
0x12b: {  	_ = 	snop  }
0x12c: {  	[tilespmem:s16], [sflag:$0x5] =	stream.indirect.gather [hbm4b:s3+s17], $0x1, s2, s17, $0xb8;
	[tilespmem:$0x12C00] =	vst v63  }
0x12d: {  	_ =	swait.ge [sflag:s20], $0x3200  }
0x12e: {  	[sflag:s20] =	ssyncset.done $0x0  }
0x12f: {  	[sflag:s20] =	ssyncadd.s32 $0xFFFFCE00  }
0x130: {  	_ =	swait.ge [sflag:s18], $0x3200  }
0x131: {  	[sflag:s18] =	ssyncset.done $0x0  }
0x132: {  	s0 =	rddreg [dreg:$0xd];
	[sflag:s18] =	ssyncadd.s32 $0xFFFFCE00  }
0x133: {  	[hbm4b:s0+s2] =	stream.linear.scatter [tilespmem:s11], [sflag:$0x8], $0x3200, $0x38;
	[tilespmem:$0x12C00] =	vst v63  }
0x134: {  	s5 =	rddreg [dreg:$0xe];
	s11 =	simm.s32 $0xFA00  }
0x135: {  	[hbm4b:s5+s2] =	stream.linear.scatter [tilespmem:s11], [sflag:$0xA], $0x3200, $0x38;
	[tilespmem:$0x12C00] =	vst v63  }
0x136: {  	s0 =	rddreg [dreg:$0xf]  }
0x137: {  	[tilespmem:s17], [sflag:$0x2] =	stream.linear.gather [hbm4b:s0+s2], $0x3200, $0x38;
	[tilespmem:$0x12C00] =	vst v63  }
0x138: {  	_ =	swait.ge [sflag:s25], $0x3200  }
0x139: {  	[sflag:s25] =	ssyncset.done $0x0  }
0x13a: {  	[sflag:s25] =	ssyncadd.s32 $0xFFFFCE00  }
0x13b: {  	s5 =	smov.u32 s6;
	s6 =	smov.u32 s7;
	_ =	swait.ge [sflag:s13], $0x3200  }
0x13c: {  	s7 =	smov.u32 s8;
	s8 =	smov.u32 s22;
	[sflag:s13] =	ssyncset.done $0x0  }
0x13d: {  	s22 =	smov.u32 s23;
	s23 =	smov.u32 s24;
	[sflag:s13] =	ssyncadd.s32 $0xFFFFCE00  }
0x13e: {  	s24 =	smov.u32 s26;
	s26 =	smov.u32 s28;
	_ =	swait.ge [sflag:s9], $0x3200  }
0x13f: {  	s28 =	smov.u32 s29;
	s29 =	smov.u32 s31;
	[sflag:s9] =	ssyncset.done $0x0  }
0x140: {  	s31 =	smov.u32 s10;
	s10 =	simm.s32 $0x9600;
	[sflag:s9] =	ssyncadd.s32 $0xFFFFCE00  }
0x141: {  	[tilespmem:s10], [sflag:$0x4] =	stream.indirect.gather [hbm4b:s4+s17], $0x1, s17, s17, $0xb8;
	[tilespmem:$0x12C00] =	vst v63  }
0x142: {  	_ = 	snop  }
0x143: {  	[tilespmem:s11], [sflag:$0x6] =	stream.indirect.gather [hbm4b:s3+s17], $0x1, s17, s17, $0xb8;
	[tilespmem:$0x12C00] =	vst v63  }
0x144: {  	_ =	swait.ge [sflag:s21], $0x3200  }
0x145: {  	[sflag:s21] =	ssyncset.done $0x0  }
0x146: {  	[sflag:s21] =	ssyncadd.s32 $0xFFFFCE00  }
0x147: {  	_ =	swait.ge [sflag:s19], $0x3200  }
0x148: {  	[sflag:s19] =	ssyncset.done $0x0  }
0x149: {  	[sflag:s19] =	ssyncadd.s32 $0xFFFFCE00  }
0x14a: {  	[hbm4b:s26+s2] =	stream.linear.scatter [tilespmem:s15], [sflag:$0x7], $0x3200, $0x38;
	[tilespmem:$0x12C00] =	vst v63  }
0x14b: {  	_ = 	snop  }
0x14c: {  	[hbm4b:s28+s2] =	stream.linear.scatter [tilespmem:s16], [sflag:$0x9], $0x3200, $0x38;
	[tilespmem:$0x12C00] =	vst v63  }
0x14d: {  	_ = 	snop  }
0x14e: {  	[tilespmem:s2], [sflag:$0x1] =	stream.linear.gather [hbm4b:s29+s2], $0x3200, $0x38;
	[tilespmem:$0x12C00] =	vst v63  }
0x14f: {  	_ =	swait.ge [sflag:s30], $0x3200  }
0x150: {  	[sflag:s30] =	ssyncset.done $0x0  }
0x151: {  	[sflag:s30] =	ssyncadd.s32 $0xFFFFCE00  }
0x152: {  	_ =	swait.ge [sflag:s14], $0x3200  }
0x153: {  	[sflag:s14] =	ssyncset.done $0x0  }
0x154: {  	[sflag:s14] =	ssyncadd.s32 $0xFFFFCE00  }
0x155: {  	_ =	swait.ge [sflag:s12], $0x3200  }
0x156: {  	[sflag:s12] =	ssyncset.done $0x0  }
0x157: {  	[sflag:s12] =	ssyncadd.s32 $0xFFFFCE00  }
0x158: {  	[tilespmem:s15], [sflag:$0x3] =	stream.indirect.gather [hbm4b:s4+s17], $0x1, s2, s17, $0xb8;
	[tilespmem:$0x12C00] =	vst v63  }
0x159: {  	_ = 	snop  }
0x15a: {  	[tilespmem:s16], [sflag:$0x5] =	stream.indirect.gather [hbm4b:s3+s17], $0x1, s2, s17, $0xb8;
	[tilespmem:$0x12C00] =	vst v63  }
0x15b: {  	_ =	swait.ge [sflag:s20], $0x3200  }
0x15c: {  	[sflag:s20] =	ssyncset.done $0x0  }
0x15d: {  	[sflag:s20] =	ssyncadd.s32 $0xFFFFCE00  }
0x15e: {  	_ =	swait.ge [sflag:s18], $0x3200  }
0x15f: {  	[sflag:s18] =	ssyncset.done $0x0  }
0x160: {  	[sflag:s18] =	ssyncadd.s32 $0xFFFFCE00  }
0x161: {  	[hbm4b:s22+s2] =	stream.linear.scatter [tilespmem:s10], [sflag:$0x8], $0x3200, $0x38;
	[tilespmem:$0x12C00] =	vst v63  }
0x162: {  	_ = 	snop  }
0x163: {  	[hbm4b:s23+s2] =	stream.linear.scatter [tilespmem:s11], [sflag:$0xA], $0x3200, $0x38;
	[tilespmem:$0x12C00] =	vst v63  }
0x164: {  	_ = 	snop  }
0x165: {  	[tilespmem:s17], [sflag:$0x2] =	stream.linear.gather [hbm4b:s24+s2], $0x3200, $0x38;
	[tilespmem:$0x12C00] =	vst v63  }
0x166: {  	_ =	swait.ge [sflag:s25], $0x3200  }
0x167: {  	[sflag:s25] =	ssyncset.done $0x0  }
0x168: {  	[sflag:s25] =	ssyncadd.s32 $0xFFFFCE00  }
0x169: {  	_ =	swait.ge [sflag:s13], $0x3200  }
0x16a: {  	[sflag:s13] =	ssyncset.done $0x0  }
0x16b: {  	[sflag:s13] =	ssyncadd.s32 $0xFFFFCE00  }
0x16c: {  	_ =	swait.ge [sflag:s9], $0x3200  }
0x16d: {  	[sflag:s9] =	ssyncset.done $0x0  }
0x16e: {  	[sflag:s9] =	ssyncadd.s32 $0xFFFFCE00  }
0x16f: {  	[tilespmem:s10], [sflag:$0x4] =	stream.indirect.gather [hbm4b:s4+s17], $0x1, s17, s17, $0xb8;
	[tilespmem:$0x12C00] =	vst v63  }
0x170: {  	_ = 	snop  }
0x171: {  	[tilespmem:s11], [sflag:$0x6] =	stream.indirect.gather [hbm4b:s3+s17], $0x1, s17, s17, $0xb8;
	[tilespmem:$0x12C00] =	vst v63  }
0x172: {  	_ =	swait.ge [sflag:s21], $0x3200  }
0x173: {  	[sflag:s21] =	ssyncset.done $0x0  }
0x174: {  	[sflag:s21] =	ssyncadd.s32 $0xFFFFCE00  }
0x175: {  	_ =	swait.ge [sflag:s19], $0x3200  }
0x176: {  	[sflag:s19] =	ssyncset.done $0x0  }
0x177: {  	[sflag:s19] =	ssyncadd.s32 $0xFFFFCE00  }
0x178: {  	[hbm4b:s7+s2] =	stream.linear.scatter [tilespmem:s15], [sflag:$0x7], $0x3200, $0x38;
	[tilespmem:$0x12C00] =	vst v63  }
0x179: {  	_ = 	snop  }
0x17a: {  	[hbm4b:s8+s2] =	stream.linear.scatter [tilespmem:s16], [sflag:$0x9], $0x3200, $0x38;
	[tilespmem:$0x12C00] =	vst v63  }
0x17b: {  	_ =	swait.ge [sflag:s20], $0x3200  }
0x17c: {  	[sflag:s20] =	ssyncset.done $0x0  }
0x17d: {  	[sflag:s20] =	ssyncadd.s32 $0xFFFFCE00  }
0x17e: {  	_ =	swait.ge [sflag:s18], $0x3200  }
0x17f: {  	[sflag:s18] =	ssyncset.done $0x0  }
0x180: {  	[sflag:s18] =	ssyncadd.s32 $0xFFFFCE00  }
0x181: {  	[hbm4b:s5+s2] =	stream.linear.scatter [tilespmem:s10], [sflag:$0x8], $0x3200, $0x38;
	[tilespmem:$0x12C00] =	vst v63  }
0x182: {  	_ = 	snop  }
0x183: {  	[hbm4b:s6+s2] =	stream.linear.scatter [tilespmem:s11], [sflag:$0xA], $0x3200, $0x38;
	[tilespmem:$0x12C00] =	vst v63  }
0x184: {  	_ =	swait.ge [sflag:s14], $0x3200  }
0x185: {  	[sflag:s14] =	ssyncset.done $0x0  }
0x186: {  	[sflag:s14] =	ssyncadd.s32 $0xFFFFCE00  }
0x187: {  	_ =	swait.ge [sflag:s12], $0x3200  }
0x188: {  	[sflag:s12] =	ssyncset.done $0x0  }
0x189: {  	p1 =	sne.s32 s1, $0x1;
	[sflag:s12] =	ssyncadd.s32 $0xFFFFCE00  }
.Ltmp2:
0x18a: {  	_ =	swait.ge [sflag:s13], $0x3200;
	(pc) =	sbr.rel @p1 .LBB2_2-.Ltmp2, $4  }
0x18b: {  	[sflag:s13] =	ssyncset.done $0x0  }
0x18c: {  	[sflag:s13] =	ssyncadd.s32 $0xFFFFCE00  }
0x18d: {  	_ =	swait.ge [sflag:s9], $0x3200  }
0x18e: {  	s1 =	sadd.s32 $0xFFFFFFFF, s1;
	s0 =	rddreg [dreg:$0x3];
	[sflag:s9] =	ssyncset.done $0x0  }
.LBB2_3:
0x18f: {  	[sflag:s9] =	ssyncadd.s32 @p0 $0xFFFFCE00  }
0x190: {  	[tilespmem:s2], [sflag:$0x1] =	stream.linear.gather [hbm4b:s0+s2], $0x3200, $0x38;
	[tilespmem:$0x12C00] =	vst v63  }
0x191: {  	_ =	swait.ge [sflag:s30], $0x3200  }
0x192: {  	[sflag:s30] =	ssyncset.done $0x0  }
0x193: {  	[sflag:s30] =	ssyncadd.s32 $0xFFFFCE00  }
0x194: {  	[tilespmem:s15], [sflag:$0x3] =	stream.indirect.gather [hbm4b:s4+s17], $0x1, s2, s17, $0xb8;
	[tilespmem:$0x12C00] =	vst v63  }
0x195: {  	_ = 	snop  }
0x196: {  	[tilespmem:s16], [sflag:$0x5] =	stream.indirect.gather [hbm4b:s3+s17], $0x1, s2, s17, $0xb8;
	[tilespmem:$0x12C00] =	vst v63  }
0x197: {  	s1 =	rddreg [dreg:$0x4]  }
0x198: {  	[tilespmem:s17], [sflag:$0x2] =	stream.linear.gather [hbm4b:s1+s2], $0x3200, $0x38;
	[tilespmem:$0x12C00] =	vst v63  }
0x199: {  	_ =	swait.ge [sflag:s25], $0x3200  }
0x19a: {  	[sflag:s25] =	ssyncset.done $0x0  }
0x19b: {  	[sflag:s25] =	ssyncadd.s32 $0xFFFFCE00  }
0x19c: {  	[tilespmem:s10], [sflag:$0x4] =	stream.indirect.gather [hbm4b:s4+s17], $0x1, s17, s17, $0xb8;
	[tilespmem:$0x12C00] =	vst v63  }
0x19d: {  	_ = 	snop  }
0x19e: {  	[tilespmem:s11], [sflag:$0x6] =	stream.indirect.gather [hbm4b:s3+s17], $0x1, s17, s17, $0xb8;
	[tilespmem:$0x12C00] =	vst v63  }
0x19f: {  	_ =	swait.ge [sflag:s21], $0x3200  }
0x1a0: {  	[sflag:s21] =	ssyncset.done $0x0  }
0x1a1: {  	[sflag:s21] =	ssyncadd.s32 $0xFFFFCE00  }
0x1a2: {  	_ =	swait.ge [sflag:s19], $0x3200  }
0x1a3: {  	[sflag:s19] =	ssyncset.done $0x0  }
0x1a4: {  	[sflag:s19] =	ssyncadd.s32 $0xFFFFCE00  }
0x1a5: {  	[hbm4b:s31+s2] =	stream.linear.scatter [tilespmem:s15], [sflag:$0x7], $0x3200, $0x38;
	[tilespmem:$0x12C00] =	vst v63  }
0x1a6: {  	s0 =	rddreg [dreg:$0x5]  }
0x1a7: {  	[hbm4b:s0+s2] =	stream.linear.scatter [tilespmem:s16], [sflag:$0x9], $0x3200, $0x38;
	[tilespmem:$0x12C00] =	vst v63  }
0x1a8: {  	s1 =	rddreg [dreg:$0x6]  }
0x1a9: {  	[tilespmem:s2], [sflag:$0x1] =	stream.linear.gather [hbm4b:s1+s2], $0x3200, $0x38;
	[tilespmem:$0x12C00] =	vst v63  }
0x1aa: {  	_ =	swait.ge [sflag:s30], $0x3200  }
0x1ab: {  	[sflag:s30] =	ssyncset.done $0x0  }
0x1ac: {  	[sflag:s30] =	ssyncadd.s32 $0xFFFFCE00  }
0x1ad: {  	_ =	swait.ge [sflag:s14], $0x3200  }
0x1ae: {  	[sflag:s14] =	ssyncset.done $0x0  }
0x1af: {  	[sflag:s14] =	ssyncadd.s32 $0xFFFFCE00  }
0x1b0: {  	_ =	swait.ge [sflag:s12], $0x3200  }
0x1b1: {  	[sflag:s12] =	ssyncset.done $0x0  }
0x1b2: {  	[sflag:s12] =	ssyncadd.s32 $0xFFFFCE00  }
0x1b3: {  	[tilespmem:s15], [sflag:$0x3] =	stream.indirect.gather [hbm4b:s4+s17], $0x1, s2, s17, $0xb8;
	[tilespmem:$0x12C00] =	vst v63  }
0x1b4: {  	_ = 	snop  }
0x1b5: {  	[tilespmem:s16], [sflag:$0x5] =	stream.indirect.gather [hbm4b:s3+s17], $0x1, s2, s17, $0xb8;
	[tilespmem:$0x12C00] =	vst v63  }
0x1b6: {  	_ =	swait.ge [sflag:s20], $0x3200  }
0x1b7: {  	[sflag:s20] =	ssyncset.done $0x0  }
0x1b8: {  	[sflag:s20] =	ssyncadd.s32 $0xFFFFCE00  }
0x1b9: {  	_ =	swait.ge [sflag:s18], $0x3200  }
0x1ba: {  	[sflag:s18] =	ssyncset.done $0x0  }
0x1bb: {  	s31 =	rddreg [dreg:$0x7];
	[sflag:s18] =	ssyncadd.s32 $0xFFFFCE00  }
0x1bc: {  	[hbm4b:s31+s2] =	stream.linear.scatter [tilespmem:s10], [sflag:$0x8], $0x3200, $0x38;
	[tilespmem:$0x12C00] =	vst v63  }
0x1bd: {  	s1 =	rddreg [dreg:$0x8]  }
0x1be: {  	[hbm4b:s1+s2] =	stream.linear.scatter [tilespmem:s11], [sflag:$0xA], $0x3200, $0x38;
	[tilespmem:$0x12C00] =	vst v63  }
0x1bf: {  	s31 =	rddreg [dreg:$0x9]  }
0x1c0: {  	[tilespmem:s17], [sflag:$0x2] =	stream.linear.gather [hbm4b:s31+s2], $0x3200, $0x38;
	[tilespmem:$0x12C00] =	vst v63  }
0x1c1: {  	_ =	swait.ge [sflag:s25], $0x3200  }
0x1c2: {  	[sflag:s25] =	ssyncset.done $0x0  }
0x1c3: {  	[sflag:s25] =	ssyncadd.s32 $0xFFFFCE00  }
0x1c4: {  	_ =	swait.ge [sflag:s13], $0x3200  }
0x1c5: {  	[sflag:s13] =	ssyncset.done $0x0  }
0x1c6: {  	[sflag:s13] =	ssyncadd.s32 $0xFFFFCE00  }
0x1c7: {  	_ =	swait.ge [sflag:s9], $0x3200  }
0x1c8: {  	[sflag:s9] =	ssyncset.done $0x0  }
0x1c9: {  	[sflag:s9] =	ssyncadd.s32 $0xFFFFCE00  }
0x1ca: {  	[tilespmem:s10], [sflag:$0x4] =	stream.indirect.gather [hbm4b:s4+s17], $0x1, s17, s17, $0xb8;
	[tilespmem:$0x12C00] =	vst v63  }
0x1cb: {  	_ = 	snop  }
0x1cc: {  	[tilespmem:s11], [sflag:$0x6] =	stream.indirect.gather [hbm4b:s3+s17], $0x1, s17, s17, $0xb8;
	[tilespmem:$0x12C00] =	vst v63  }
0x1cd: {  	_ =	swait.ge [sflag:s21], $0x3200  }
0x1ce: {  	[sflag:s21] =	ssyncset.done $0x0  }
0x1cf: {  	[sflag:s21] =	ssyncadd.s32 $0xFFFFCE00  }
0x1d0: {  	_ =	swait.ge [sflag:s19], $0x3200  }
0x1d1: {  	[sflag:s19] =	ssyncset.done $0x0  }
0x1d2: {  	s31 =	rddreg [dreg:$0xa];
	[sflag:s19] =	ssyncadd.s32 $0xFFFFCE00  }
0x1d3: {  	[hbm4b:s31+s2] =	stream.linear.scatter [tilespmem:s15], [sflag:$0x7], $0x3200, $0x38;
	[tilespmem:$0x12C00] =	vst v63  }
0x1d4: {  	s1 =	rddreg [dreg:$0xb]  }
0x1d5: {  	[hbm4b:s1+s2] =	stream.linear.scatter [tilespmem:s16], [sflag:$0x9], $0x3200, $0x38;
	[tilespmem:$0x12C00] =	vst v63  }
0x1d6: {  	s31 =	rddreg [dreg:$0xc]  }
0x1d7: {  	[tilespmem:s2], [sflag:$0x1] =	stream.linear.gather [hbm4b:s31+s2], $0x3200, $0x38;
	[tilespmem:$0x12C00] =	vst v63  }
0x1d8: {  	_ =	swait.ge [sflag:s30], $0x3200  }
0x1d9: {  	[sflag:s30] =	ssyncset.done $0x0  }
0x1da: {  	[sflag:s30] =	ssyncadd.s32 $0xFFFFCE00  }
0x1db: {  	_ =	swait.ge [sflag:s14], $0x3200  }
0x1dc: {  	[sflag:s14] =	ssyncset.done $0x0  }
0x1dd: {  	[sflag:s14] =	ssyncadd.s32 $0xFFFFCE00  }
0x1de: {  	_ =	swait.ge [sflag:s12], $0x3200  }
0x1df: {  	[sflag:s12] =	ssyncset.done $0x0  }
0x1e0: {  	[sflag:s12] =	ssyncadd.s32 $0xFFFFCE00  }
0x1e1: {  	[tilespmem:s15], [sflag:$0x3] =	stream.indirect.gather [hbm4b:s4+s17], $0x1, s2, s17, $0xb8;
	[tilespmem:$0x12C00] =	vst v63  }
0x1e2: {  	_ = 	snop  }
0x1e3: {  	[tilespmem:s16], [sflag:$0x5] =	stream.indirect.gather [hbm4b:s3+s17], $0x1, s2, s17, $0xb8;
	[tilespmem:$0x12C00] =	vst v63  }
0x1e4: {  	_ =	swait.ge [sflag:s20], $0x3200  }
0x1e5: {  	[sflag:s20] =	ssyncset.done $0x0  }
0x1e6: {  	[sflag:s20] =	ssyncadd.s32 $0xFFFFCE00  }
0x1e7: {  	_ =	swait.ge [sflag:s18], $0x3200  }
0x1e8: {  	[sflag:s18] =	ssyncset.done $0x0  }
0x1e9: {  	s31 =	rddreg [dreg:$0xd];
	[sflag:s18] =	ssyncadd.s32 $0xFFFFCE00  }
0x1ea: {  	[hbm4b:s31+s2] =	stream.linear.scatter [tilespmem:s10], [sflag:$0x8], $0x3200, $0x38;
	[tilespmem:$0x12C00] =	vst v63  }
0x1eb: {  	s1 =	rddreg [dreg:$0xe]  }
0x1ec: {  	[hbm4b:s1+s2] =	stream.linear.scatter [tilespmem:s11], [sflag:$0xA], $0x3200, $0x38;
	[tilespmem:$0x12C00] =	vst v63  }
0x1ed: {  	s31 =	rddreg [dreg:$0xf]  }
0x1ee: {  	[tilespmem:s17], [sflag:$0x2] =	stream.linear.gather [hbm4b:s31+s2], $0x3200, $0x38;
	[tilespmem:$0x12C00] =	vst v63  }
0x1ef: {  	_ =	swait.ge [sflag:s25], $0x3200  }
0x1f0: {  	[sflag:s25] =	ssyncset.done $0x0  }
0x1f1: {  	[sflag:s25] =	ssyncadd.s32 $0xFFFFCE00  }
0x1f2: {  	_ =	swait.ge [sflag:s13], $0x3200  }
0x1f3: {  	[sflag:s13] =	ssyncset.done $0x0  }
0x1f4: {  	[sflag:s13] =	ssyncadd.s32 $0xFFFFCE00  }
0x1f5: {  	_ =	swait.ge [sflag:s9], $0x3200  }
0x1f6: {  	[sflag:s9] =	ssyncset.done $0x0  }
0x1f7: {  	[sflag:s9] =	ssyncadd.s32 $0xFFFFCE00  }
0x1f8: {  	[tilespmem:s10], [sflag:$0x4] =	stream.indirect.gather [hbm4b:s4+s17], $0x1, s17, s17, $0xb8;
	[tilespmem:$0x12C00] =	vst v63  }
0x1f9: {  	_ = 	snop  }
0x1fa: {  	[tilespmem:s11], [sflag:$0x6] =	stream.indirect.gather [hbm4b:s3+s17], $0x1, s17, s17, $0xb8;
	[tilespmem:$0x12C00] =	vst v63  }
0x1fb: {  	_ =	swait.ge [sflag:s21], $0x3200  }
0x1fc: {  	[sflag:s21] =	ssyncset.done $0x0  }
0x1fd: {  	[sflag:s21] =	ssyncadd.s32 $0xFFFFCE00  }
0x1fe: {  	_ =	swait.ge [sflag:s19], $0x3200  }
0x1ff: {  	[sflag:s19] =	ssyncset.done $0x0  }
0x200: {  	[sflag:s19] =	ssyncadd.s32 $0xFFFFCE00  }
0x201: {  	[hbm4b:s26+s2] =	stream.linear.scatter [tilespmem:s15], [sflag:$0x7], $0x3200, $0x38;
	[tilespmem:$0x12C00] =	vst v63  }
0x202: {  	_ = 	snop  }
0x203: {  	[hbm4b:s28+s2] =	stream.linear.scatter [tilespmem:s16], [sflag:$0x9], $0x3200, $0x38;
	[tilespmem:$0x12C00] =	vst v63  }
0x204: {  	_ = 	snop  }
0x205: {  	[tilespmem:s2], [sflag:$0x1] =	stream.linear.gather [hbm4b:s29+s2], $0x3200, $0x38;
	[tilespmem:$0x12C00] =	vst v63  }
0x206: {  	_ =	swait.ge [sflag:s30], $0x3200  }
0x207: {  	[sflag:s30] =	ssyncset.done $0x0  }
0x208: {  	[sflag:s30] =	ssyncadd.s32 $0xFFFFCE00  }
0x209: {  	_ =	swait.ge [sflag:s14], $0x3200  }
0x20a: {  	[sflag:s14] =	ssyncset.done $0x0  }
0x20b: {  	[sflag:s14] =	ssyncadd.s32 $0xFFFFCE00  }
0x20c: {  	_ =	swait.ge [sflag:s12], $0x3200  }
0x20d: {  	[sflag:s12] =	ssyncset.done $0x0  }
0x20e: {  	[sflag:s12] =	ssyncadd.s32 $0xFFFFCE00  }
0x20f: {  	[tilespmem:s15], [sflag:$0x3] =	stream.indirect.gather [hbm4b:s4+s17], $0x1, s2, s17, $0xb8;
	[tilespmem:$0x12C00] =	vst v63  }
0x210: {  	_ = 	snop  }
0x211: {  	[tilespmem:s16], [sflag:$0x5] =	stream.indirect.gather [hbm4b:s3+s17], $0x1, s2, s17, $0xb8;
	[tilespmem:$0x12C00] =	vst v63  }
0x212: {  	_ =	swait.ge [sflag:s20], $0x3200  }
0x213: {  	[sflag:s20] =	ssyncset.done $0x0  }
0x214: {  	[sflag:s20] =	ssyncadd.s32 $0xFFFFCE00  }
0x215: {  	_ =	swait.ge [sflag:s18], $0x3200  }
0x216: {  	[sflag:s18] =	ssyncset.done $0x0  }
0x217: {  	[sflag:s18] =	ssyncadd.s32 $0xFFFFCE00  }
0x218: {  	[hbm4b:s22+s2] =	stream.linear.scatter [tilespmem:s10], [sflag:$0x8], $0x3200, $0x38;
	[tilespmem:$0x12C00] =	vst v63  }
0x219: {  	_ = 	snop  }
0x21a: {  	[hbm4b:s23+s2] =	stream.linear.scatter [tilespmem:s11], [sflag:$0xA], $0x3200, $0x38;
	[tilespmem:$0x12C00] =	vst v63  }
0x21b: {  	_ = 	snop  }
0x21c: {  	[tilespmem:s17], [sflag:$0x2] =	stream.linear.gather [hbm4b:s24+s2], $0x3200, $0x38;
	[tilespmem:$0x12C00] =	vst v63  }
0x21d: {  	_ =	swait.ge [sflag:s25], $0x3200  }
0x21e: {  	[sflag:s25] =	ssyncset.done $0x0  }
0x21f: {  	[sflag:s25] =	ssyncadd.s32 $0xFFFFCE00  }
0x220: {  	_ =	swait.ge [sflag:s13], $0x3200  }
0x221: {  	[sflag:s13] =	ssyncset.done $0x0  }
0x222: {  	[sflag:s13] =	ssyncadd.s32 $0xFFFFCE00  }
0x223: {  	_ =	swait.ge [sflag:s9], $0x3200  }
0x224: {  	[sflag:s9] =	ssyncset.done $0x0  }
0x225: {  	[sflag:s9] =	ssyncadd.s32 $0xFFFFCE00  }
0x226: {  	[tilespmem:s10], [sflag:$0x4] =	stream.indirect.gather [hbm4b:s4+s17], $0x1, s17, s17, $0xb8;
	[tilespmem:$0x12C00] =	vst v63  }
0x227: {  	_ = 	snop  }
0x228: {  	[tilespmem:s11], [sflag:$0x6] =	stream.indirect.gather [hbm4b:s3+s17], $0x1, s17, s17, $0xb8;
	[tilespmem:$0x12C00] =	vst v63  }
0x229: {  	_ =	swait.ge [sflag:s21], $0x3200  }
0x22a: {  	[sflag:s21] =	ssyncset.done $0x0  }
0x22b: {  	[sflag:s21] =	ssyncadd.s32 $0xFFFFCE00  }
0x22c: {  	_ =	swait.ge [sflag:s19], $0x3200  }
0x22d: {  	[sflag:s19] =	ssyncset.done $0x0  }
0x22e: {  	[sflag:s19] =	ssyncadd.s32 $0xFFFFCE00  }
0x22f: {  	[hbm4b:s7+s2] =	stream.linear.scatter [tilespmem:s15], [sflag:$0x7], $0x3200, $0x38;
	[tilespmem:$0x12C00] =	vst v63  }
0x230: {  	_ = 	snop  }
0x231: {  	[hbm4b:s8+s2] =	stream.linear.scatter [tilespmem:s16], [sflag:$0x9], $0x3200, $0x38;
	[tilespmem:$0x12C00] =	vst v63  }
0x232: {  	_ =	swait.ge [sflag:s20], $0x3200  }
0x233: {  	[sflag:s20] =	ssyncset.done $0x0  }
0x234: {  	[sflag:s20] =	ssyncadd.s32 $0xFFFFCE00  }
0x235: {  	_ =	swait.ge [sflag:s18], $0x3200  }
0x236: {  	[sflag:s18] =	ssyncset.done $0x0  }
0x237: {  	[sflag:s18] =	ssyncadd.s32 $0xFFFFCE00  }
0x238: {  	[hbm4b:s5+s2] =	stream.linear.scatter [tilespmem:s10], [sflag:$0x8], $0x3200, $0x38;
	[tilespmem:$0x12C00] =	vst v63  }
0x239: {  	_ = 	snop  }
0x23a: {  	[hbm4b:s6+s2] =	stream.linear.scatter [tilespmem:s11], [sflag:$0xA], $0x3200, $0x38;
	[tilespmem:$0x12C00] =	vst v63  }
0x23b: {  	_ =	swait.ge [sflag:s14], $0x3200  }
0x23c: {  	[sflag:s14] =	ssyncset.done $0x0  }
0x23d: {  	[sflag:s14] =	ssyncadd.s32 $0xFFFFCE00  }
0x23e: {  	_ =	swait.ge [sflag:s12], $0x3200  }
0x23f: {  	[sflag:s12] =	ssyncset.done $0x0  }
0x240: {  	[sflag:s12] =	ssyncadd.s32 $0xFFFFCE00  }
0x241: {  	_ =	swait.ge [sflag:s13], $0x3200  }
0x242: {  	[sflag:s13] =	ssyncset.done $0x0  }
0x243: {  	[sflag:s13] =	ssyncadd.s32 $0xFFFFCE00  }
0x244: {  	_ =	swait.ge [sflag:s9], $0x3200  }
0x245: {  	[sflag:s9] =	ssyncset.done $0x0  }
0x246: {  	[sflag:s9] =	ssyncadd.s32 $0xFFFFCE00  }
0x247: {  	_ =	sfence.sel $0x180000  }
0x248: {  	[bflag:$0x0] =	sbarrier.arrive $0xFFFF  }
0x249: {  	_ =	strace $0x90000047  }
0x24a: {  	s31 =	stileid.u32;
	[bflag:$0x2] =	sbarrier.arrive $0xFFFF  }
0x24b: {  	p0 =	sne.s32 s31, $0x0;
	s0 =	rddreg [dreg:$0x2]  }
0x24c: {  	s0 =	sadd.s32 @!p0 $0x100000, s0  }
0x24d: {  	[sflag:s0] =	ssyncadd.tile.s32 @!p0 $0x1;
	_ =	shalt  }
.Lfunc_end2:
_tile_overlayer_lowered:
.L_overlay_start_2:
0x24e: {  	(tag) =	ssettag $0x2  }
0x24f: {  	s0 =	rddreg [dreg:$0x0];
	s2 =	stileid.u32  }
0x250: {  	s1 =	rddreg [dreg:$0x1];
	p0 =	sne.s32 s2, $0x0  }
0x251: {  	s3 =	rddreg [dreg:$0x2];
	[bflag:$0x3] =	sbarrier.arrive $0xFFFF;
	s2 =	simm.s32 @!p0 $0x1C0B  }
0x252: {  	[timem:s3], [sflag:s2] =	dma.local @!p0 [hbm:s0], s1  }
0x253: {  	s0 =	simm.s32 @!p0 $0xB  }
0x254: {  	_ =	swait.ge @!p0 [sflag:s0], s1  }
0x255: {  	s1 =	ssub.s32 @!p0 $0x0, s1;
	[sflag:s0] =	ssyncset.done @!p0 $0x0  }
0x256: {  	[sflag:s0] =	ssyncadd.s32 @!p0 s1  }
0x257: {  	[bflag:$0x3] =	sbarrier.arrive $0xFFFF  }
0x258: {  	_ =	shalt  }

</sc_bundles>
